<compile_context>
chip_gen: v7x
topology: tpu7x:2x2x1
jax: 0.10.2.dev20260603
libtpu: 0.0.44.dev20260713+nightly
codegen_flags: <defaults>
</compile_context>

<pallas_src>
import functools

import jax
import jax.numpy as jnp
from jax import lax
from jax.experimental import pallas as pl
from jax.experimental.pallas import tpu as pltpu
from jax.experimental.pallas import tpu_sc as plsc

LANES = 16
CHUNK = 80
HALF = 64
N_SUB = 16


def _linear_body(x_ref, w_ref, b_ref, o_ref):
    h = lax.dot_general(
        x_ref[...], w_ref[...], (((1,), (1,)), ((), ())),
        preferred_element_type=jnp.float32) + b_ref[...][None, :]
    o_ref[0] = h[:, :HALF]
    o_ref[1] = h[:, HALF:]


def _linear_split(x, W, b):
    n, _ = x.shape
    return pl.pallas_call(
        _linear_body,
        out_shape=jax.ShapeDtypeStruct((2, n, HALF), jnp.float32),
    )(x, W, b)


def _edge_agg_body(nchunks_ps, n_nodes,
                   h1_hbm, srcm_hbm, dstm_hbm, acc_hbm, deg_hbm,
                   r0, r1, r2, r3, r4, src_v, dst_v, zbuf_v, degl_v,
                   acc_sh, s0, s1, s2, s3, s4):
    rows_v = [r0, r1, r2, r3, r4]
    semg = [s0, s1, s2, s3, s4]
    cid = lax.axis_index("c")
    sid = lax.axis_index("s")
    zrows = zbuf_v.shape[0]
    nzchunks = n_nodes // zrows
    zk = (nzchunks + N_SUB - 1) // N_SUB
    nbuf = len(rows_v)

    ds = pltpu.async_copy(srcm_hbm.at[sid], src_v, semg[0])
    dd = pltpu.async_copy(dstm_hbm.at[sid], dst_v, semg[1])

    def _z2(i, _):
        r = i // (HALF // LANES)
        c = i % (HALF // LANES)
        zbuf_v[r, pl.ds(c * LANES, LANES)] = jnp.zeros((LANES,), jnp.float32)
        return 0
    lax.fori_loop(0, zrows * (HALF // LANES), _z2, 0)

    def _zd(i, _):
        degl_v[pl.ds(i * LANES, LANES)] = jnp.zeros((LANES,), jnp.float32)
        return 0
    lax.fori_loop(0, n_nodes // LANES, _zd, 0)

    ds.wait()
    dd.wait()

    def _zacc(k, _):
        j = sid + k * N_SUB
        @pl.when(j < nzchunks)
        def _():
            pltpu.sync_copy(zbuf_v, acc_sh.at[pl.ds(j * zrows, zrows)])
        return 0
    lax.fori_loop(0, zk, _zacc, 0)

    plsc.subcore_barrier()

    table = h1_hbm.at[cid]
    ones16 = jnp.ones((LANES,), jnp.float32)
    vpc = CHUNK // LANES
    nfly = nbuf - 1
    for k in range(nfly):
        pltpu.async_copy(table.at[src_v.at[k]], rows_v[k], semg[k])

    def _edge(i, _):
        j0 = nbuf * i
        for k in range(nbuf):
            j = j0 + k
            kr = (k + nfly) % nbuf
            pltpu.make_async_copy(table.at[src_v.at[j]], rows_v[k], semg[k]).wait()
            jn = jnp.where(j + nfly < nchunks_ps, j + nfly, 0)
            pltpu.async_copy(table.at[src_v.at[jn]], rows_v[kr], semg[kr])
            for c in range(vpc):
                idx = src_v[j, pl.ds(c * LANES, LANES)]
                plsc.addupdate_scatter(degl_v, [idx], ones16)
            pltpu.sync_copy(rows_v[k], acc_sh.at[dst_v.at[j]], add=True)
        return 0
    lax.fori_loop(0, nchunks_ps // nbuf, _edge, 0)
    for k in range(nfly):
        pltpu.make_async_copy(table.at[src_v.at[0]], rows_v[k], semg[k]).wait()

    pltpu.sync_copy(degl_v,
                    deg_hbm.at[pl.ds((cid * N_SUB + sid) * n_nodes, n_nodes)])

    plsc.subcore_barrier()

    def _wacc(k, _):
        j = sid + k * N_SUB
        @pl.when(j < nzchunks)
        def _():
            off = j * zrows
            pltpu.sync_copy(acc_sh.at[pl.ds(off, zrows)], zbuf_v)
            pltpu.sync_copy(zbuf_v, acc_hbm.at[cid, pl.ds(off, zrows)])
        return 0
    lax.fori_loop(0, zk, _wacc, 0)


def _edge_aggregate(h1s, srcm, dstm, n_nodes):
    nchunks_ps = srcm.shape[1]
    mesh = plsc.VectorSubcoreMesh(core_axis_name="c", subcore_axis_name="s")
    kern = pl.kernel(
        functools.partial(_edge_agg_body, nchunks_ps, n_nodes),
        out_type=(
            jax.ShapeDtypeStruct((2, n_nodes, HALF), jnp.float32),
            jax.ShapeDtypeStruct((2 * N_SUB * n_nodes,), jnp.float32),
        ),
        mesh=mesh,
        compiler_params=pltpu.CompilerParams(use_tc_tiling_on_sc=False,
                                             needs_layout_passes=False),
        scratch_types=(
            pltpu.VMEM((CHUNK, HALF), jnp.float32),
            pltpu.VMEM((CHUNK, HALF), jnp.float32),
            pltpu.VMEM((CHUNK, HALF), jnp.float32),
            pltpu.VMEM((CHUNK, HALF), jnp.float32),
            pltpu.VMEM((CHUNK, HALF), jnp.float32),
            pltpu.VMEM((nchunks_ps, CHUNK), jnp.int32),
            pltpu.VMEM((nchunks_ps, CHUNK), jnp.int32),
            pltpu.VMEM((200, HALF), jnp.float32),
            pltpu.VMEM((n_nodes,), jnp.float32),
            pltpu.VMEM_SHARED((n_nodes, HALF), jnp.float32),
            pltpu.SemaphoreType.DMA,
            pltpu.SemaphoreType.DMA,
            pltpu.SemaphoreType.DMA,
            pltpu.SemaphoreType.DMA,
            pltpu.SemaphoreType.DMA,
        ),
    )
    return kern(h1s, srcm, dstm)


def _combine_body(n_edges, acc_ref, deg_ref, w2_ref, b2_ref, o_ref):
    w2s = jnp.sum(w2_ref[...], axis=0)
    deg = 0.5 * jnp.sum(deg_ref[...], axis=0)
    ta = jnp.tanh(acc_ref[0])
    tb = jnp.tanh(acc_ref[1])
    row = jnp.sum(ta * w2s[None, :HALF], axis=1) + jnp.sum(tb * w2s[None, HALF:], axis=1)
    total = jnp.sum(row * deg) + n_edges * jnp.sum(b2_ref[...])
    o_ref[...] = total[None, None]


def _combine(acc, deg, W2, b2, n_edges):
    return pl.pallas_call(
        functools.partial(_combine_body, float(n_edges)),
        out_shape=jax.ShapeDtypeStruct((1, 1), jnp.float32),
    )(acc, deg, W2, b2)


def kernel(x, edge_index, W1, b1, W2, b2):
    n_nodes = x.shape[0]
    n_edges = edge_index.shape[1]
    src = edge_index[0].reshape(N_SUB, n_edges // (N_SUB * CHUNK), CHUNK)
    dst = edge_index[1].reshape(N_SUB, n_edges // (N_SUB * CHUNK), CHUNK)

    h1s = _linear_split(x, W1, b1)
    acc, deg = _edge_aggregate(h1s, src, dst, n_nodes)
    return _combine(acc, deg.reshape(2 * N_SUB, n_nodes), W2, b2, n_edges)

# --- scband reference (transcript-rebuilt; emitter-appended) ---
"""Pipeline reference for scband-gnn-maker-hnn-16844861735803 (READ-ONLY COPY).

The authoritative reference and input builder live on the scoring server;
editing this copy changes nothing except your own understanding.
"""

import jax, jax.numpy as jnp
import numpy as np

N = 10000
E = 320000
IN_DIM = 128
HID_DIM = 128
OUT_DIM = 64


def setup_inputs(seed: int = 0) -> dict:
    key = jax.random.key(seed)
    k1, k2, k3, k4 = jax.random.split(key, 4)
    x = jax.random.normal(k1, (N, IN_DIM), dtype=jnp.float32)
    edge_index = jax.random.randint(k2, (2, E), 0, N, dtype=jnp.int32)
    # GNNlayer params: nn.Linear init normal(0, 0.1), bias zeros
    W1 = 0.1 * jax.random.normal(k3, (HID_DIM, IN_DIM), dtype=jnp.float32)
    b1 = jnp.zeros((HID_DIM,), dtype=jnp.float32)
    W2 = 0.1 * jax.random.normal(k4, (OUT_DIM, HID_DIM), dtype=jnp.float32)
    b2 = jnp.zeros((OUT_DIM,), dtype=jnp.float32)
    return {"x": x, "edge_index": edge_index, "W1": W1, "b1": b1, "W2": W2, "b2": b2}


def reference(x, edge_index, W1, b1, W2, b2):
    # GNN_maker_HNN, type='GCN', acts=['tanh','tanh'] -> [GNNlayer(in,hid), Tanh, GNNlayer(hid,out)]
    src = edge_index[0]
    dst = edge_index[1]
    # Layer 1: linear then copy_u/sum aggregation (scatter-add of src features into dst)
    h = x @ W1.T + b1
    h = jnp.zeros((N, HID_DIM), dtype=x.dtype).at[dst].add(jnp.take(h, src, axis=0))
    h = jnp.tanh(h)
    # Layer 2
    h = h @ W2.T + b2
    h = jnp.zeros((N, OUT_DIM), dtype=x.dtype).at[dst].add(jnp.take(h, src, axis=0))
    # forward(): per-graph sum of node features; single graph in batch -> shape [1, 1]
    out = jnp.sum(h).reshape(1,)
    return out[None, :]

if __name__ == "__main__":
    import jax
    _d = setup_inputs()
    print(jax.jit(kernel)(*tuple(_d.values())))

</pallas_src>

<mosaic_0001>
#map = affine_map<(d0, d1) -> (0, 0, 0)>
#map1 = affine_map<(d0, d1) -> (0)>
module attributes {stable_mosaic.version = 14 : i64} {
  func.func @_edge_agg_body(%arg0: i32, %arg1: i32, %arg2: memref<2x10000x64xf32, #tpu.memory_space<hbm>>, %arg3: memref<16x250x80xi32, #tpu.memory_space<hbm>>, %arg4: memref<16x250x80xi32, #tpu.memory_space<hbm>>, %arg5: memref<2x10000x64xf32, #tpu.memory_space<hbm>>, %arg6: memref<320000xf32, #tpu.memory_space<hbm>>, %arg7: memref<80x64xf32, #tpu.memory_space<vmem>>, %arg8: memref<80x64xf32, #tpu.memory_space<vmem>>, %arg9: memref<80x64xf32, #tpu.memory_space<vmem>>, %arg10: memref<80x64xf32, #tpu.memory_space<vmem>>, %arg11: memref<80x64xf32, #tpu.memory_space<vmem>>, %arg12: memref<250x80xi32, #tpu.memory_space<vmem>>, %arg13: memref<250x80xi32, #tpu.memory_space<vmem>>, %arg14: memref<200x64xf32, #tpu.memory_space<vmem>>, %arg15: memref<10000xf32, #tpu.memory_space<vmem>>, %arg16: memref<10000x64xf32, #tpu.memory_space<vmem_shared>>, %arg17: memref<!tpu.dma_semaphore, #tpu.memory_space<semaphore_mem>>, %arg18: memref<!tpu.dma_semaphore, #tpu.memory_space<semaphore_mem>>, %arg19: memref<!tpu.dma_semaphore, #tpu.memory_space<semaphore_mem>>, %arg20: memref<!tpu.dma_semaphore, #tpu.memory_space<semaphore_mem>>, %arg21: memref<!tpu.dma_semaphore, #tpu.memory_space<semaphore_mem>>) attributes {dimension_semantics = [#tpu.dimension_semantics<core_parallel>, #tpu.dimension_semantics<subcore_parallel>], iteration_bounds = array<i64: 2, 16>, scalar_prefetch = 0 : i64, scratch_operands = 15 : i64, tpu.core_type = #tpu.core_type<sc_vector_subcore>, window_params = [{transform_indices = #map}, {transform_indices = #map}, {transform_indices = #map}, {transform_indices = #map}, {transform_indices = #map1}]} {
    %dma_start3A = arith.constant 0 : i32
    %dma_start3A_0 = arith.constant 0 : i32
    %dma_start3A_1 = tpu.memref_slice %arg3[%arg1, %dma_start3A, %dma_start3A_0] : memref<16x250x80xi32, #tpu.memory_space<hbm>> -> memref<1x250x80xi32, #tpu.memory_space<hbm>>
    %dma_start3A_2 = tpu.memref_squeeze %dma_start3A_1 : memref<1x250x80xi32, #tpu.memory_space<hbm>> -> memref<250x80xi32, #tpu.memory_space<hbm>>
    %dma_start3A_3 = arith.constant 0 : i32
    %dma_start3A_4 = arith.constant 0 : i32
    %dma_start3A_5 = tpu.memref_slice %arg3[%arg1, %dma_start3A_3, %dma_start3A_4] : memref<16x250x80xi32, #tpu.memory_space<hbm>> -> memref<1x250x80xi32, #tpu.memory_space<hbm>>
    %dma_start3A_6 = tpu.memref_squeeze %dma_start3A_5 : memref<1x250x80xi32, #tpu.memory_space<hbm>> -> memref<250x80xi32, #tpu.memory_space<hbm>>
    tpu.enqueue_dma source(%dma_start3A_6 : memref<250x80xi32, #tpu.memory_space<hbm>>) target(%arg12 : memref<250x80xi32, #tpu.memory_space<vmem>>) target_semaphore(%arg17 : memref<!tpu.dma_semaphore, #tpu.memory_space<semaphore_mem>>)
    %dma_start3A_7 = arith.constant 0 : i32
    %dma_start3A_8 = arith.constant 0 : i32
    %dma_start3A_9 = tpu.memref_slice %arg4[%arg1, %dma_start3A_7, %dma_start3A_8] : memref<16x250x80xi32, #tpu.memory_space<hbm>> -> memref<1x250x80xi32, #tpu.memory_space<hbm>>
    %dma_start3A_10 = tpu.memref_squeeze %dma_start3A_9 : memref<1x250x80xi32, #tpu.memory_space<hbm>> -> memref<250x80xi32, #tpu.memory_space<hbm>>
    %dma_start3A_11 = arith.constant 0 : i32
    %dma_start3A_12 = arith.constant 0 : i32
    %dma_start3A_13 = tpu.memref_slice %arg4[%arg1, %dma_start3A_11, %dma_start3A_12] : memref<16x250x80xi32, #tpu.memory_space<hbm>> -> memref<1x250x80xi32, #tpu.memory_space<hbm>>
    %dma_start3A_14 = tpu.memref_squeeze %dma_start3A_13 : memref<1x250x80xi32, #tpu.memory_space<hbm>> -> memref<250x80xi32, #tpu.memory_space<hbm>>
    tpu.enqueue_dma source(%dma_start3A_14 : memref<250x80xi32, #tpu.memory_space<hbm>>) target(%arg13 : memref<250x80xi32, #tpu.memory_space<vmem>>) target_semaphore(%arg18 : memref<!tpu.dma_semaphore, #tpu.memory_space<semaphore_mem>>)
    %scan3A = arith.constant 0 : i32
    %scan3A_15 = arith.constant 0 : i32
    %scan3A_16 = arith.constant 800 : i32
    %scan3A_17 = arith.addi %scan3A_15, %scan3A_16 : i32
    %scan3A_18 = arith.constant 1 : i32
    %scan3A_19 = scf.for %scan3A_157 = %scan3A_15 to %scan3A_17 step %scan3A_18 iter_args(%scan3A_158 = %scan3A) -> (i32)  : i32 {
      %jit3A = arith.constant 4 : i32
      %div3A = arith.divsi %scan3A_157, %jit3A : i32
      %sign3A = arith.constant 0 : i32
      %sign3A_159 = arith.cmpi sgt, %scan3A_157, %sign3A : i32
      %sign3A_160 = arith.extui %sign3A_159 : i1 to i32
      %sign3A_161 = arith.constant 0 : i32
      %sign3A_162 = arith.cmpi slt, %scan3A_157, %sign3A_161 : i32
      %sign3A_163 = arith.extui %sign3A_162 : i1 to i32
      %sign3A_164 = arith.subi %sign3A_160, %sign3A_163 : i32
      %sign3A_165 = arith.constant 0 : i32
      %sign3A_166 = arith.cmpi sgt, %jit3A, %sign3A_165 : i32
      %sign3A_167 = arith.extui %sign3A_166 : i1 to i32
      %sign3A_168 = arith.constant 0 : i32
      %sign3A_169 = arith.cmpi slt, %jit3A, %sign3A_168 : i32
      %sign3A_170 = arith.extui %sign3A_169 : i1 to i32
      %sign3A_171 = arith.subi %sign3A_167, %sign3A_170 : i32
      %ne3A = arith.cmpi ne, %sign3A_164, %sign3A_171 : i32
      %rem3A = arith.remsi %scan3A_157, %jit3A : i32
      %ne3A_172 = arith.constant 0 : i32
      %ne3A_173 = arith.cmpi ne, %rem3A, %ne3A_172 : i32
      %and3A = arith.andi %ne3A, %ne3A_173 : i1
      %sub3A = arith.constant 1 : i32
      %sub3A_174 = arith.subi %div3A, %sub3A : i32
      %select_n3A = arith.select %and3A, %sub3A_174, %div3A : i32
      %jit3A_175 = arith.constant 4 : i32
      %eq3A = arith.constant 0 : i32
      %eq3A_176 = arith.cmpi eq, %jit3A_175, %eq3A : i32
      %jit3A_177 = arith.constant 1 : i32
      %select_n3A_178 = arith.select %eq3A_176, %jit3A_177, %jit3A_175 : i32
      %rem3A_179 = arith.remsi %scan3A_157, %select_n3A_178 : i32
      %ne3A_180 = arith.constant 0 : i32
      %ne3A_181 = arith.cmpi ne, %rem3A_179, %ne3A_180 : i32
      %lt3A = arith.constant 0 : i32
      %lt3A_182 = arith.cmpi slt, %rem3A_179, %lt3A : i32
      %lt3A_183 = arith.constant 0 : i32
      %lt3A_184 = arith.cmpi slt, %select_n3A_178, %lt3A_183 : i32
      %ne3A_185 = arith.xori %lt3A_182, %lt3A_184 : i1
      %and3A_186 = arith.andi %ne3A_185, %ne3A_181 : i1
      %add3A_187 = arith.addi %rem3A_179, %select_n3A_178 : i32
      %select_n3A_188 = arith.select %and3A_186, %add3A_187, %rem3A_179 : i32
      %broadcast_in_dim3A_189 = arith.constant 0.000000e+00 : f32
      %broadcast_in_dim3A_190 = vector.broadcast %broadcast_in_dim3A_189 : f32 to vector<16xf32>
      %mul3A_191 = arith.constant 16 : i32
      %mul3A_192 = arith.muli %select_n3A_188, %mul3A_191 : i32
      %swap3A = arith.index_cast %select_n3A : i32 to index
      %swap3A_193 = arith.index_cast %mul3A_192 : i32 to index
      %swap3A_194 = tpu.vector_load %arg14[%swap3A, %swap3A_193] {strides = array<i32>} : memref<200x64xf32, #tpu.memory_space<vmem>>, vector<16xf32>,
      tpu.vector_store %arg14[%swap3A, %swap3A_193], %broadcast_in_dim3A_190 {strides = array<i32>} : memref<200x64xf32, #tpu.memory_space<vmem>>, vector<16xf32>,
      %scan3A_195 = arith.constant 0 : i32
      scf.yield %scan3A_195 : i32
    }
    %scan3A_20 = arith.constant 800 : i32
    %scan3A_21 = arith.constant 0 : i32
    %scan3A_22 = arith.constant 0 : i32
    %scan3A_23 = arith.constant 625 : i32
    %scan3A_24 = arith.addi %scan3A_22, %scan3A_23 : i32
    %scan3A_25 = arith.constant 1 : i32
    %scan3A_26 = scf.for %scan3A_157 = %scan3A_22 to %scan3A_24 step %scan3A_25 iter_args(%scan3A_158 = %scan3A_21) -> (i32)  : i32 {
      %broadcast_in_dim3A_159 = arith.constant 0.000000e+00 : f32
      %broadcast_in_dim3A_160 = vector.broadcast %broadcast_in_dim3A_159 : f32 to vector<16xf32>
      %mul3A_161 = arith.constant 16 : i32
      %mul3A_162 = arith.muli %scan3A_157, %mul3A_161 : i32
      %swap3A = arith.index_cast %mul3A_162 : i32 to index
      %swap3A_163 = tpu.vector_load %arg15[%swap3A] {strides = array<i32>} : memref<10000xf32, #tpu.memory_space<vmem>>, vector<16xf32>,
      tpu.vector_store %arg15[%swap3A], %broadcast_in_dim3A_160 {strides = array<i32>} : memref<10000xf32, #tpu.memory_space<vmem>>, vector<16xf32>,
      %scan3A_164 = arith.constant 0 : i32
      scf.yield %scan3A_164 : i32
    }
    %scan3A_27 = arith.constant 625 : i32
    %dma_wait3A = arith.constant 0 : i32
    %dma_wait3A_28 = arith.constant 0 : i32
    %dma_wait3A_29 = tpu.memref_slice %arg3[%arg1, %dma_wait3A, %dma_wait3A_28] : memref<16x250x80xi32, #tpu.memory_space<hbm>> -> memref<1x250x80xi32, #tpu.memory_space<hbm>>
    %dma_wait3A_30 = tpu.memref_squeeze %dma_wait3A_29 : memref<1x250x80xi32, #tpu.memory_space<hbm>> -> memref<250x80xi32, #tpu.memory_space<hbm>>
    %dma_wait3A_31 = arith.constant 0 : i32
    %dma_wait3A_32 = arith.constant 0 : i32
    %dma_wait3A_33 = tpu.memref_slice %arg3[%arg1, %dma_wait3A_31, %dma_wait3A_32] : memref<16x250x80xi32, #tpu.memory_space<hbm>> -> memref<1x250x80xi32, #tpu.memory_space<hbm>>
    %dma_wait3A_34 = tpu.memref_squeeze %dma_wait3A_33 : memref<1x250x80xi32, #tpu.memory_space<hbm>> -> memref<250x80xi32, #tpu.memory_space<hbm>>
    tpu.wait_dma2 semaphore(%arg17 : memref<!tpu.dma_semaphore, #tpu.memory_space<semaphore_mem>>) src(%dma_wait3A_34 : memref<250x80xi32, #tpu.memory_space<hbm>>) dst(%arg12 : memref<250x80xi32, #tpu.memory_space<vmem>>)
    %dma_wait3A_35 = arith.constant 0 : i32
    %dma_wait3A_36 = arith.constant 0 : i32
    %dma_wait3A_37 = tpu.memref_slice %arg4[%arg1, %dma_wait3A_35, %dma_wait3A_36] : memref<16x250x80xi32, #tpu.memory_space<hbm>> -> memref<1x250x80xi32, #tpu.memory_space<hbm>>
    %dma_wait3A_38 = tpu.memref_squeeze %dma_wait3A_37 : memref<1x250x80xi32, #tpu.memory_space<hbm>> -> memref<250x80xi32, #tpu.memory_space<hbm>>
    %dma_wait3A_39 = arith.constant 0 : i32
    %dma_wait3A_40 = arith.constant 0 : i32
    %dma_wait3A_41 = tpu.memref_slice %arg4[%arg1, %dma_wait3A_39, %dma_wait3A_40] : memref<16x250x80xi32, #tpu.memory_space<hbm>> -> memref<1x250x80xi32, #tpu.memory_space<hbm>>
    %dma_wait3A_42 = tpu.memref_squeeze %dma_wait3A_41 : memref<1x250x80xi32, #tpu.memory_space<hbm>> -> memref<250x80xi32, #tpu.memory_space<hbm>>
    tpu.wait_dma2 semaphore(%arg18 : memref<!tpu.dma_semaphore, #tpu.memory_space<semaphore_mem>>) src(%dma_wait3A_42 : memref<250x80xi32, #tpu.memory_space<hbm>>) dst(%arg13 : memref<250x80xi32, #tpu.memory_space<vmem>>)
    %scan3A_43 = arith.constant 0 : i32
    %scan3A_44 = arith.constant 0 : i32
    %scan3A_45 = arith.constant 4 : i32
    %scan3A_46 = arith.addi %scan3A_44, %scan3A_45 : i32
    %scan3A_47 = arith.constant 1 : i32
    %scan3A_48 = scf.for %scan3A_157 = %scan3A_44 to %scan3A_46 step %scan3A_47 iter_args(%scan3A_158 = %scan3A_43) -> (i32)  : i32 {
      %mul3A_159 = arith.constant 16 : i32
      %mul3A_160 = arith.muli %scan3A_157, %mul3A_159 : i32
      %add3A_161 = arith.addi %arg1, %mul3A_160 : i32
      %lt3A = arith.constant 50 : i32
      %lt3A_162 = arith.cmpi slt, %add3A_161, %lt3A : i32
      %convert_element_type3A = arith.extui %lt3A_162 : i1 to i32
      %cond3A = arith.constant 0 : i32
      %cond3A_163 = arith.cmpi ne, %convert_element_type3A, %cond3A : i32
      scf.if %cond3A_163 {
        %mul3A_165 = arith.constant 200 : i32
        %mul3A_166 = arith.muli %add3A_161, %mul3A_165 : i32
        "tpu.region"() ({
          %run_scoped3A = tpu.sem_alloc : memref<!tpu.dma_semaphore, #tpu.memory_space<semaphore_mem>>
          %dma_start3A_167 = arith.constant 0 : i32
          %dma_start3A_168 = tpu.memref_slice %arg16[%mul3A_166, %dma_start3A_167] : memref<10000x64xf32, #tpu.memory_space<vmem_shared>> -> memref<200x64xf32, #tpu.memory_space<vmem_shared>>
          %dma_start3A_169 = arith.constant 0 : i32
          %dma_start3A_170 = tpu.memref_slice %arg16[%mul3A_166, %dma_start3A_169] : memref<10000x64xf32, #tpu.memory_space<vmem_shared>> -> memref<200x64xf32, #tpu.memory_space<vmem_shared>>
          tpu.enqueue_dma source(%arg14 : memref<200x64xf32, #tpu.memory_space<vmem>>) target(%dma_start3A_170 : memref<200x64xf32, #tpu.memory_space<vmem_shared>>) target_semaphore(%run_scoped3A : memref<!tpu.dma_semaphore, #tpu.memory_space<semaphore_mem>>)
          %dma_wait3A_171 = arith.constant 0 : i32
          %dma_wait3A_172 = tpu.memref_slice %arg16[%mul3A_166, %dma_wait3A_171] : memref<10000x64xf32, #tpu.memory_space<vmem_shared>> -> memref<200x64xf32, #tpu.memory_space<vmem_shared>>
          %dma_wait3A_173 = arith.constant 0 : i32
          %dma_wait3A_174 = tpu.memref_slice %arg16[%mul3A_166, %dma_wait3A_173] : memref<10000x64xf32, #tpu.memory_space<vmem_shared>> -> memref<200x64xf32, #tpu.memory_space<vmem_shared>>
          tpu.wait_dma2 semaphore(%run_scoped3A : memref<!tpu.dma_semaphore, #tpu.memory_space<semaphore_mem>>) src(%arg14 : memref<200x64xf32, #tpu.memory_space<vmem>>) dst(%dma_wait3A_174 : memref<200x64xf32, #tpu.memory_space<vmem_shared>>)
          tpu.yield
        }) : () -> ()
      } else {
      }
      %scan3A_164 = arith.constant 0 : i32
      scf.yield %scan3A_164 : i32
    }
    %scan3A_49 = arith.constant 4 : i32
    %barrier3A = arith.constant 0 : index
    tpu.barrier barrier_id(%barrier3A)
    %broadcast_in_dim3A = arith.constant 1.000000e+00 : f32
    %broadcast_in_dim3A_50 = vector.broadcast %broadcast_in_dim3A : f32 to vector<16xf32>
    %dma_start3A_51 = arith.constant 0 : i32
    %dma_start3A_52 = arith.constant 0 : i32
    %dma_start3A_53 = tpu.memref_slice %arg12[%dma_start3A_51, %dma_start3A_52] : memref<250x80xi32, #tpu.memory_space<vmem>> -> memref<1x80xi32, #tpu.memory_space<vmem>>
    %dma_start3A_54 = tpu.memref_squeeze %dma_start3A_53 : memref<1x80xi32, #tpu.memory_space<vmem>> -> memref<80xi32, #tpu.memory_space<vmem>>
    %dma_start3A_55 = arith.constant 0 : i32
    %dma_start3A_56 = arith.constant 0 : i32
    %dma_start3A_57 = tpu.memref_slice %arg2[%arg0, %dma_start3A_55, %dma_start3A_56] : memref<2x10000x64xf32, #tpu.memory_space<hbm>> -> memref<1x10000x64xf32, #tpu.memory_space<hbm>>
    %dma_start3A_58 = tpu.memref_squeeze %dma_start3A_57 : memref<1x10000x64xf32, #tpu.memory_space<hbm>> -> memref<10000x64xf32, #tpu.memory_space<hbm>>
    %dma_start3A_59 = arith.constant 0 : i32
    %dma_start3A_60 = arith.constant 0 : i32
    %dma_start3A_61 = tpu.memref_slice %dma_start3A_58[%dma_start3A_59, %dma_start3A_60] : memref<10000x64xf32, #tpu.memory_space<hbm>> -> memref<10000x64xf32, #tpu.memory_space<hbm>>
    tpu.enqueue_indirect_dma source(%dma_start3A_61 : memref<10000x64xf32, #tpu.memory_space<hbm>>) target(%arg7 : memref<80x64xf32, #tpu.memory_space<vmem>>) offsets(%dma_start3A_54 : memref<80xi32, #tpu.memory_space<vmem>>) semaphore(%arg17 : memref<!tpu.dma_semaphore, #tpu.memory_space<semaphore_mem>>)
    %dma_start3A_62 = arith.constant 1 : i32
    %dma_start3A_63 = arith.constant 0 : i32
    %dma_start3A_64 = tpu.memref_slice %arg12[%dma_start3A_62, %dma_start3A_63] : memref<250x80xi32, #tpu.memory_space<vmem>> -> memref<1x80xi32, #tpu.memory_space<vmem>>
    %dma_start3A_65 = tpu.memref_squeeze %dma_start3A_64 : memref<1x80xi32, #tpu.memory_space<vmem>> -> memref<80xi32, #tpu.memory_space<vmem>>
    %dma_start3A_66 = arith.constant 0 : i32
    %dma_start3A_67 = arith.constant 0 : i32
    %dma_start3A_68 = tpu.memref_slice %arg2[%arg0, %dma_start3A_66, %dma_start3A_67] : memref<2x10000x64xf32, #tpu.memory_space<hbm>> -> memref<1x10000x64xf32, #tpu.memory_space<hbm>>
    %dma_start3A_69 = tpu.memref_squeeze %dma_start3A_68 : memref<1x10000x64xf32, #tpu.memory_space<hbm>> -> memref<10000x64xf32, #tpu.memory_space<hbm>>
    %dma_start3A_70 = arith.constant 0 : i32
    %dma_start3A_71 = arith.constant 0 : i32
    %dma_start3A_72 = tpu.memref_slice %dma_start3A_69[%dma_start3A_70, %dma_start3A_71] : memref<10000x64xf32, #tpu.memory_space<hbm>> -> memref<10000x64xf32, #tpu.memory_space<hbm>>
    tpu.enqueue_indirect_dma source(%dma_start3A_72 : memref<10000x64xf32, #tpu.memory_space<hbm>>) target(%arg8 : memref<80x64xf32, #tpu.memory_space<vmem>>) offsets(%dma_start3A_65 : memref<80xi32, #tpu.memory_space<vmem>>) semaphore(%arg18 : memref<!tpu.dma_semaphore, #tpu.memory_space<semaphore_mem>>)
    %dma_start3A_73 = arith.constant 2 : i32
    %dma_start3A_74 = arith.constant 0 : i32
    %dma_start3A_75 = tpu.memref_slice %arg12[%dma_start3A_73, %dma_start3A_74] : memref<250x80xi32, #tpu.memory_space<vmem>> -> memref<1x80xi32, #tpu.memory_space<vmem>>
    %dma_start3A_76 = tpu.memref_squeeze %dma_start3A_75 : memref<1x80xi32, #tpu.memory_space<vmem>> -> memref<80xi32, #tpu.memory_space<vmem>>
    %dma_start3A_77 = arith.constant 0 : i32
    %dma_start3A_78 = arith.constant 0 : i32
    %dma_start3A_79 = tpu.memref_slice %arg2[%arg0, %dma_start3A_77, %dma_start3A_78] : memref<2x10000x64xf32, #tpu.memory_space<hbm>> -> memref<1x10000x64xf32, #tpu.memory_space<hbm>>
    %dma_start3A_80 = tpu.memref_squeeze %dma_start3A_79 : memref<1x10000x64xf32, #tpu.memory_space<hbm>> -> memref<10000x64xf32, #tpu.memory_space<hbm>>
    %dma_start3A_81 = arith.constant 0 : i32
    %dma_start3A_82 = arith.constant 0 : i32
    %dma_start3A_83 = tpu.memref_slice %dma_start3A_80[%dma_start3A_81, %dma_start3A_82] : memref<10000x64xf32, #tpu.memory_space<hbm>> -> memref<10000x64xf32, #tpu.memory_space<hbm>>
    tpu.enqueue_indirect_dma source(%dma_start3A_83 : memref<10000x64xf32, #tpu.memory_space<hbm>>) target(%arg9 : memref<80x64xf32, #tpu.memory_space<vmem>>) offsets(%dma_start3A_76 : memref<80xi32, #tpu.memory_space<vmem>>) semaphore(%arg19 : memref<!tpu.dma_semaphore, #tpu.memory_space<semaphore_mem>>)
    %dma_start3A_84 = arith.constant 3 : i32
    %dma_start3A_85 = arith.constant 0 : i32
    %dma_start3A_86 = tpu.memref_slice %arg12[%dma_start3A_84, %dma_start3A_85] : memref<250x80xi32, #tpu.memory_space<vmem>> -> memref<1x80xi32, #tpu.memory_space<vmem>>
    %dma_start3A_87 = tpu.memref_squeeze %dma_start3A_86 : memref<1x80xi32, #tpu.memory_space<vmem>> -> memref<80xi32, #tpu.memory_space<vmem>>
    %dma_start3A_88 = arith.constant 0 : i32
    %dma_start3A_89 = arith.constant 0 : i32
    %dma_start3A_90 = tpu.memref_slice %arg2[%arg0, %dma_start3A_88, %dma_start3A_89] : memref<2x10000x64xf32, #tpu.memory_space<hbm>> -> memref<1x10000x64xf32, #tpu.memory_space<hbm>>
    %dma_start3A_91 = tpu.memref_squeeze %dma_start3A_90 : memref<1x10000x64xf32, #tpu.memory_space<hbm>> -> memref<10000x64xf32, #tpu.memory_space<hbm>>
    %dma_start3A_92 = arith.constant 0 : i32
    %dma_start3A_93 = arith.constant 0 : i32
    %dma_start3A_94 = tpu.memref_slice %dma_start3A_91[%dma_start3A_92, %dma_start3A_93] : memref<10000x64xf32, #tpu.memory_space<hbm>> -> memref<10000x64xf32, #tpu.memory_space<hbm>>
    tpu.enqueue_indirect_dma source(%dma_start3A_94 : memref<10000x64xf32, #tpu.memory_space<hbm>>) target(%arg10 : memref<80x64xf32, #tpu.memory_space<vmem>>) offsets(%dma_start3A_87 : memref<80xi32, #tpu.memory_space<vmem>>) semaphore(%arg20 : memref<!tpu.dma_semaphore, #tpu.memory_space<semaphore_mem>>)
    %scan3A_95 = arith.constant 0 : i32
    %scan3A_96 = arith.constant 0 : i32
    %scan3A_97 = arith.constant 50 : i32
    %scan3A_98 = arith.addi %scan3A_96, %scan3A_97 : i32
    %scan3A_99 = arith.constant 1 : i32
    %scan3A_100 = scf.for %scan3A_157 = %scan3A_96 to %scan3A_98 step %scan3A_99 iter_args(%scan3A_158 = %scan3A_95) -> (i32)  : i32 {
      %mul3A_159 = arith.constant 5 : i32
      %mul3A_160 = arith.muli %mul3A_159, %scan3A_157 : i32
      %add3A_161 = arith.constant 0 : i32
      %add3A_162 = arith.addi %mul3A_160, %add3A_161 : i32
      %dma_wait3A_163 = arith.constant 0 : i32
      %dma_wait3A_164 = tpu.memref_slice %arg12[%add3A_162, %dma_wait3A_163] : memref<250x80xi32, #tpu.memory_space<vmem>> -> memref<1x80xi32, #tpu.memory_space<vmem>>
      %dma_wait3A_165 = tpu.memref_squeeze %dma_wait3A_164 : memref<1x80xi32, #tpu.memory_space<vmem>> -> memref<80xi32, #tpu.memory_space<vmem>>
      %dma_wait3A_166 = arith.constant 0 : i32
      %dma_wait3A_167 = arith.constant 0 : i32
      %dma_wait3A_168 = tpu.memref_slice %arg2[%arg0, %dma_wait3A_166, %dma_wait3A_167] : memref<2x10000x64xf32, #tpu.memory_space<hbm>> -> memref<1x10000x64xf32, #tpu.memory_space<hbm>>
      %dma_wait3A_169 = tpu.memref_squeeze %dma_wait3A_168 : memref<1x10000x64xf32, #tpu.memory_space<hbm>> -> memref<10000x64xf32, #tpu.memory_space<hbm>>
      %dma_wait3A_170 = arith.constant 0 : i32
      %dma_wait3A_171 = arith.constant 0 : i32
      %dma_wait3A_172 = tpu.memref_slice %dma_wait3A_169[%dma_wait3A_170, %dma_wait3A_171] : memref<10000x64xf32, #tpu.memory_space<hbm>> -> memref<10000x64xf32, #tpu.memory_space<hbm>>
      tpu.wait_indirect_dma semaphore(%arg17 : memref<!tpu.dma_semaphore, #tpu.memory_space<semaphore_mem>>) src(%dma_wait3A_172 : memref<10000x64xf32, #tpu.memory_space<hbm>>) dst(%arg7 : memref<80x64xf32, #tpu.memory_space<vmem>>)
      %add3A_173 = arith.constant 4 : i32
      %add3A_174 = arith.addi %add3A_162, %add3A_173 : i32
      %lt3A = arith.constant 250 : i32
      %lt3A_175 = arith.cmpi slt, %add3A_174, %lt3A : i32
      %add3A_176 = arith.constant 4 : i32
      %add3A_177 = arith.addi %add3A_162, %add3A_176 : i32
      %jit3A = arith.constant 0 : i32
      %select_n3A = arith.select %lt3A_175, %add3A_177, %jit3A : i32
      %dma_start3A_178 = arith.constant 0 : i32
      %dma_start3A_179 = tpu.memref_slice %arg12[%select_n3A, %dma_start3A_178] : memref<250x80xi32, #tpu.memory_space<vmem>> -> memref<1x80xi32, #tpu.memory_space<vmem>>
      %dma_start3A_180 = tpu.memref_squeeze %dma_start3A_179 : memref<1x80xi32, #tpu.memory_space<vmem>> -> memref<80xi32, #tpu.memory_space<vmem>>
      %dma_start3A_181 = arith.constant 0 : i32
      %dma_start3A_182 = arith.constant 0 : i32
      %dma_start3A_183 = tpu.memref_slice %arg2[%arg0, %dma_start3A_181, %dma_start3A_182] : memref<2x10000x64xf32, #tpu.memory_space<hbm>> -> memref<1x10000x64xf32, #tpu.memory_space<hbm>>
      %dma_start3A_184 = tpu.memref_squeeze %dma_start3A_183 : memref<1x10000x64xf32, #tpu.memory_space<hbm>> -> memref<10000x64xf32, #tpu.memory_space<hbm>>
      %dma_start3A_185 = arith.constant 0 : i32
      %dma_start3A_186 = arith.constant 0 : i32
      %dma_start3A_187 = tpu.memref_slice %dma_start3A_184[%dma_start3A_185, %dma_start3A_186] : memref<10000x64xf32, #tpu.memory_space<hbm>> -> memref<10000x64xf32, #tpu.memory_space<hbm>>
      tpu.enqueue_indirect_dma source(%dma_start3A_187 : memref<10000x64xf32, #tpu.memory_space<hbm>>) target(%arg11 : memref<80x64xf32, #tpu.memory_space<vmem>>) offsets(%dma_start3A_180 : memref<80xi32, #tpu.memory_space<vmem>>) semaphore(%arg21 : memref<!tpu.dma_semaphore, #tpu.memory_space<semaphore_mem>>)
      %get3A = arith.index_cast %add3A_162 : i32 to index
      %get3A_188 = arith.constant 0 : index
      %get3A_189 = tpu.vector_load %arg12[%get3A, %get3A_188] {strides = array<i32>} : memref<250x80xi32, #tpu.memory_space<vmem>>, vector<16xi32>,
      tpu.vector_store_idx %arg15[%get3A_189], %broadcast_in_dim3A_50 {add = true} : memref<10000xf32, #tpu.memory_space<vmem>>[vector<16xi32>], vector<16xf32>,
      %get3A_190 = arith.index_cast %add3A_162 : i32 to index
      %get3A_191 = arith.constant 16 : index
      %get3A_192 = tpu.vector_load %arg12[%get3A_190, %get3A_191] {strides = array<i32>} : memref<250x80xi32, #tpu.memory_space<vmem>>, vector<16xi32>,
      tpu.vector_store_idx %arg15[%get3A_192], %broadcast_in_dim3A_50 {add = true} : memref<10000xf32, #tpu.memory_space<vmem>>[vector<16xi32>], vector<16xf32>,
      %get3A_193 = arith.index_cast %add3A_162 : i32 to index
      %get3A_194 = arith.constant 32 : index
      %get3A_195 = tpu.vector_load %arg12[%get3A_193, %get3A_194] {strides = array<i32>} : memref<250x80xi32, #tpu.memory_space<vmem>>, vector<16xi32>,
      tpu.vector_store_idx %arg15[%get3A_195], %broadcast_in_dim3A_50 {add = true} : memref<10000xf32, #tpu.memory_space<vmem>>[vector<16xi32>], vector<16xf32>,
      %get3A_196 = arith.index_cast %add3A_162 : i32 to index
      %get3A_197 = arith.constant 48 : index
      %get3A_198 = tpu.vector_load %arg12[%get3A_196, %get3A_197] {strides = array<i32>} : memref<250x80xi32, #tpu.memory_space<vmem>>, vector<16xi32>,
      tpu.vector_store_idx %arg15[%get3A_198], %broadcast_in_dim3A_50 {add = true} : memref<10000xf32, #tpu.memory_space<vmem>>[vector<16xi32>], vector<16xf32>,
      %get3A_199 = arith.index_cast %add3A_162 : i32 to index
      %get3A_200 = arith.constant 64 : index
      %get3A_201 = tpu.vector_load %arg12[%get3A_199, %get3A_200] {strides = array<i32>} : memref<250x80xi32, #tpu.memory_space<vmem>>, vector<16xi32>,
      tpu.vector_store_idx %arg15[%get3A_201], %broadcast_in_dim3A_50 {add = true} : memref<10000xf32, #tpu.memory_space<vmem>>[vector<16xi32>], vector<16xf32>,
      "tpu.region"() ({
        %run_scoped3A = tpu.sem_alloc : memref<!tpu.dma_semaphore, #tpu.memory_space<semaphore_mem>>
        %dma_start3A_383 = arith.constant 0 : i32
        %dma_start3A_384 = tpu.memref_slice %arg13[%add3A_162, %dma_start3A_383] : memref<250x80xi32, #tpu.memory_space<vmem>> -> memref<1x80xi32, #tpu.memory_space<vmem>>
        %dma_start3A_385 = tpu.memref_squeeze %dma_start3A_384 : memref<1x80xi32, #tpu.memory_space<vmem>> -> memref<80xi32, #tpu.memory_space<vmem>>
        %dma_start3A_386 = arith.constant 0 : i32
        %dma_start3A_387 = arith.constant 0 : i32
        %dma_start3A_388 = tpu.memref_slice %arg16[%dma_start3A_386, %dma_start3A_387] : memref<10000x64xf32, #tpu.memory_space<vmem_shared>> -> memref<10000x64xf32, #tpu.memory_space<vmem_shared>>
        tpu.enqueue_indirect_dma source(%arg7 : memref<80x64xf32, #tpu.memory_space<vmem>>) target(%dma_start3A_388 : memref<10000x64xf32, #tpu.memory_space<vmem_shared>>) offsets(%dma_start3A_385 : memref<80xi32, #tpu.memory_space<vmem>>) semaphore(%run_scoped3A : memref<!tpu.dma_semaphore, #tpu.memory_space<semaphore_mem>>) {add = true}
        %dma_wait3A_389 = arith.constant 0 : i32
        %dma_wait3A_390 = tpu.memref_slice %arg13[%add3A_162, %dma_wait3A_389] : memref<250x80xi32, #tpu.memory_space<vmem>> -> memref<1x80xi32, #tpu.memory_space<vmem>>
        %dma_wait3A_391 = tpu.memref_squeeze %dma_wait3A_390 : memref<1x80xi32, #tpu.memory_space<vmem>> -> memref<80xi32, #tpu.memory_space<vmem>>
        %dma_wait3A_392 = arith.constant 0 : i32
        %dma_wait3A_393 = arith.constant 0 : i32
        %dma_wait3A_394 = tpu.memref_slice %arg16[%dma_wait3A_392, %dma_wait3A_393] : memref<10000x64xf32, #tpu.memory_space<vmem_shared>> -> memref<10000x64xf32, #tpu.memory_space<vmem_shared>>
        tpu.wait_indirect_dma semaphore(%run_scoped3A : memref<!tpu.dma_semaphore, #tpu.memory_space<semaphore_mem>>) src(%arg7 : memref<80x64xf32, #tpu.memory_space<vmem>>) dst(%dma_wait3A_394 : memref<10000x64xf32, #tpu.memory_space<vmem_shared>>)
        tpu.yield
      }) : () -> ()
      %add3A_202 = arith.constant 1 : i32
      %add3A_203 = arith.addi %mul3A_160, %add3A_202 : i32
      %dma_wait3A_204 = arith.constant 0 : i32
      %dma_wait3A_205 = tpu.memref_slice %arg12[%add3A_203, %dma_wait3A_204] : memref<250x80xi32, #tpu.memory_space<vmem>> -> memref<1x80xi32, #tpu.memory_space<vmem>>
      %dma_wait3A_206 = tpu.memref_squeeze %dma_wait3A_205 : memref<1x80xi32, #tpu.memory_space<vmem>> -> memref<80xi32, #tpu.memory_space<vmem>>
      %dma_wait3A_207 = arith.constant 0 : i32
      %dma_wait3A_208 = arith.constant 0 : i32
      %dma_wait3A_209 = tpu.memref_slice %arg2[%arg0, %dma_wait3A_207, %dma_wait3A_208] : memref<2x10000x64xf32, #tpu.memory_space<hbm>> -> memref<1x10000x64xf32, #tpu.memory_space<hbm>>
      %dma_wait3A_210 = tpu.memref_squeeze %dma_wait3A_209 : memref<1x10000x64xf32, #tpu.memory_space<hbm>> -> memref<10000x64xf32, #tpu.memory_space<hbm>>
      %dma_wait3A_211 = arith.constant 0 : i32
      %dma_wait3A_212 = arith.constant 0 : i32
      %dma_wait3A_213 = tpu.memref_slice %dma_wait3A_210[%dma_wait3A_211, %dma_wait3A_212] : memref<10000x64xf32, #tpu.memory_space<hbm>> -> memref<10000x64xf32, #tpu.memory_space<hbm>>
      tpu.wait_indirect_dma semaphore(%arg18 : memref<!tpu.dma_semaphore, #tpu.memory_space<semaphore_mem>>) src(%dma_wait3A_213 : memref<10000x64xf32, #tpu.memory_space<hbm>>) dst(%arg8 : memref<80x64xf32, #tpu.memory_space<vmem>>)
      %add3A_214 = arith.constant 4 : i32
      %add3A_215 = arith.addi %add3A_203, %add3A_214 : i32
      %lt3A_216 = arith.constant 250 : i32
      %lt3A_217 = arith.cmpi slt, %add3A_215, %lt3A_216 : i32
      %add3A_218 = arith.constant 4 : i32
      %add3A_219 = arith.addi %add3A_203, %add3A_218 : i32
      %jit3A_220 = arith.constant 0 : i32
      %select_n3A_221 = arith.select %lt3A_217, %add3A_219, %jit3A_220 : i32
      %dma_start3A_222 = arith.constant 0 : i32
      %dma_start3A_223 = tpu.memref_slice %arg12[%select_n3A_221, %dma_start3A_222] : memref<250x80xi32, #tpu.memory_space<vmem>> -> memref<1x80xi32, #tpu.memory_space<vmem>>
      %dma_start3A_224 = tpu.memref_squeeze %dma_start3A_223 : memref<1x80xi32, #tpu.memory_space<vmem>> -> memref<80xi32, #tpu.memory_space<vmem>>
      %dma_start3A_225 = arith.constant 0 : i32
      %dma_start3A_226 = arith.constant 0 : i32
      %dma_start3A_227 = tpu.memref_slice %arg2[%arg0, %dma_start3A_225, %dma_start3A_226] : memref<2x10000x64xf32, #tpu.memory_space<hbm>> -> memref<1x10000x64xf32, #tpu.memory_space<hbm>>
      %dma_start3A_228 = tpu.memref_squeeze %dma_start3A_227 : memref<1x10000x64xf32, #tpu.memory_space<hbm>> -> memref<10000x64xf32, #tpu.memory_space<hbm>>
      %dma_start3A_229 = arith.constant 0 : i32
      %dma_start3A_230 = arith.constant 0 : i32
      %dma_start3A_231 = tpu.memref_slice %dma_start3A_228[%dma_start3A_229, %dma_start3A_230] : memref<10000x64xf32, #tpu.memory_space<hbm>> -> memref<10000x64xf32, #tpu.memory_space<hbm>>
      tpu.enqueue_indirect_dma source(%dma_start3A_231 : memref<10000x64xf32, #tpu.memory_space<hbm>>) target(%arg7 : memref<80x64xf32, #tpu.memory_space<vmem>>) offsets(%dma_start3A_224 : memref<80xi32, #tpu.memory_space<vmem>>) semaphore(%arg17 : memref<!tpu.dma_semaphore, #tpu.memory_space<semaphore_mem>>)
      %get3A_232 = arith.index_cast %add3A_203 : i32 to index
      %get3A_233 = arith.constant 0 : index
      %get3A_234 = tpu.vector_load %arg12[%get3A_232, %get3A_233] {strides = array<i32>} : memref<250x80xi32, #tpu.memory_space<vmem>>, vector<16xi32>,
      tpu.vector_store_idx %arg15[%get3A_234], %broadcast_in_dim3A_50 {add = true} : memref<10000xf32, #tpu.memory_space<vmem>>[vector<16xi32>], vector<16xf32>,
      %get3A_235 = arith.index_cast %add3A_203 : i32 to index
      %get3A_236 = arith.constant 16 : index
      %get3A_237 = tpu.vector_load %arg12[%get3A_235, %get3A_236] {strides = array<i32>} : memref<250x80xi32, #tpu.memory_space<vmem>>, vector<16xi32>,
      tpu.vector_store_idx %arg15[%get3A_237], %broadcast_in_dim3A_50 {add = true} : memref<10000xf32, #tpu.memory_space<vmem>>[vector<16xi32>], vector<16xf32>,
      %get3A_238 = arith.index_cast %add3A_203 : i32 to index
      %get3A_239 = arith.constant 32 : index
      %get3A_240 = tpu.vector_load %arg12[%get3A_238, %get3A_239] {strides = array<i32>} : memref<250x80xi32, #tpu.memory_space<vmem>>, vector<16xi32>,
      tpu.vector_store_idx %arg15[%get3A_240], %broadcast_in_dim3A_50 {add = true} : memref<10000xf32, #tpu.memory_space<vmem>>[vector<16xi32>], vector<16xf32>,
      %get3A_241 = arith.index_cast %add3A_203 : i32 to index
      %get3A_242 = arith.constant 48 : index
      %get3A_243 = tpu.vector_load %arg12[%get3A_241, %get3A_242] {strides = array<i32>} : memref<250x80xi32, #tpu.memory_space<vmem>>, vector<16xi32>,
      tpu.vector_store_idx %arg15[%get3A_243], %broadcast_in_dim3A_50 {add = true} : memref<10000xf32, #tpu.memory_space<vmem>>[vector<16xi32>], vector<16xf32>,
      %get3A_244 = arith.index_cast %add3A_203 : i32 to index
      %get3A_245 = arith.constant 64 : index
      %get3A_246 = tpu.vector_load %arg12[%get3A_244, %get3A_245] {strides = array<i32>} : memref<250x80xi32, #tpu.memory_space<vmem>>, vector<16xi32>,
      tpu.vector_store_idx %arg15[%get3A_246], %broadcast_in_dim3A_50 {add = true} : memref<10000xf32, #tpu.memory_space<vmem>>[vector<16xi32>], vector<16xf32>,
      "tpu.region"() ({
        %run_scoped3A = tpu.sem_alloc : memref<!tpu.dma_semaphore, #tpu.memory_space<semaphore_mem>>
        %dma_start3A_383 = arith.constant 0 : i32
        %dma_start3A_384 = tpu.memref_slice %arg13[%add3A_203, %dma_start3A_383] : memref<250x80xi32, #tpu.memory_space<vmem>> -> memref<1x80xi32, #tpu.memory_space<vmem>>
        %dma_start3A_385 = tpu.memref_squeeze %dma_start3A_384 : memref<1x80xi32, #tpu.memory_space<vmem>> -> memref<80xi32, #tpu.memory_space<vmem>>
        %dma_start3A_386 = arith.constant 0 : i32
        %dma_start3A_387 = arith.constant 0 : i32
        %dma_start3A_388 = tpu.memref_slice %arg16[%dma_start3A_386, %dma_start3A_387] : memref<10000x64xf32, #tpu.memory_space<vmem_shared>> -> memref<10000x64xf32, #tpu.memory_space<vmem_shared>>
        tpu.enqueue_indirect_dma source(%arg8 : memref<80x64xf32, #tpu.memory_space<vmem>>) target(%dma_start3A_388 : memref<10000x64xf32, #tpu.memory_space<vmem_shared>>) offsets(%dma_start3A_385 : memref<80xi32, #tpu.memory_space<vmem>>) semaphore(%run_scoped3A : memref<!tpu.dma_semaphore, #tpu.memory_space<semaphore_mem>>) {add = true}
        %dma_wait3A_389 = arith.constant 0 : i32
        %dma_wait3A_390 = tpu.memref_slice %arg13[%add3A_203, %dma_wait3A_389] : memref<250x80xi32, #tpu.memory_space<vmem>> -> memref<1x80xi32, #tpu.memory_space<vmem>>
        %dma_wait3A_391 = tpu.memref_squeeze %dma_wait3A_390 : memref<1x80xi32, #tpu.memory_space<vmem>> -> memref<80xi32, #tpu.memory_space<vmem>>
        %dma_wait3A_392 = arith.constant 0 : i32
        %dma_wait3A_393 = arith.constant 0 : i32
        %dma_wait3A_394 = tpu.memref_slice %arg16[%dma_wait3A_392, %dma_wait3A_393] : memref<10000x64xf32, #tpu.memory_space<vmem_shared>> -> memref<10000x64xf32, #tpu.memory_space<vmem_shared>>
        tpu.wait_indirect_dma semaphore(%run_scoped3A : memref<!tpu.dma_semaphore, #tpu.memory_space<semaphore_mem>>) src(%arg8 : memref<80x64xf32, #tpu.memory_space<vmem>>) dst(%dma_wait3A_394 : memref<10000x64xf32, #tpu.memory_space<vmem_shared>>)
        tpu.yield
      }) : () -> ()
      %add3A_247 = arith.constant 2 : i32
      %add3A_248 = arith.addi %mul3A_160, %add3A_247 : i32
      %dma_wait3A_249 = arith.constant 0 : i32
      %dma_wait3A_250 = tpu.memref_slice %arg12[%add3A_248, %dma_wait3A_249] : memref<250x80xi32, #tpu.memory_space<vmem>> -> memref<1x80xi32, #tpu.memory_space<vmem>>
      %dma_wait3A_251 = tpu.memref_squeeze %dma_wait3A_250 : memref<1x80xi32, #tpu.memory_space<vmem>> -> memref<80xi32, #tpu.memory_space<vmem>>
      %dma_wait3A_252 = arith.constant 0 : i32
      %dma_wait3A_253 = arith.constant 0 : i32
      %dma_wait3A_254 = tpu.memref_slice %arg2[%arg0, %dma_wait3A_252, %dma_wait3A_253] : memref<2x10000x64xf32, #tpu.memory_space<hbm>> -> memref<1x10000x64xf32, #tpu.memory_space<hbm>>
      %dma_wait3A_255 = tpu.memref_squeeze %dma_wait3A_254 : memref<1x10000x64xf32, #tpu.memory_space<hbm>> -> memref<10000x64xf32, #tpu.memory_space<hbm>>
      %dma_wait3A_256 = arith.constant 0 : i32
      %dma_wait3A_257 = arith.constant 0 : i32
      %dma_wait3A_258 = tpu.memref_slice %dma_wait3A_255[%dma_wait3A_256, %dma_wait3A_257] : memref<10000x64xf32, #tpu.memory_space<hbm>> -> memref<10000x64xf32, #tpu.memory_space<hbm>>
      tpu.wait_indirect_dma semaphore(%arg19 : memref<!tpu.dma_semaphore, #tpu.memory_space<semaphore_mem>>) src(%dma_wait3A_258 : memref<10000x64xf32, #tpu.memory_space<hbm>>) dst(%arg9 : memref<80x64xf32, #tpu.memory_space<vmem>>)
      %add3A_259 = arith.constant 4 : i32
      %add3A_260 = arith.addi %add3A_248, %add3A_259 : i32
      %lt3A_261 = arith.constant 250 : i32
      %lt3A_262 = arith.cmpi slt, %add3A_260, %lt3A_261 : i32
      %add3A_263 = arith.constant 4 : i32
      %add3A_264 = arith.addi %add3A_248, %add3A_263 : i32
      %jit3A_265 = arith.constant 0 : i32
      %select_n3A_266 = arith.select %lt3A_262, %add3A_264, %jit3A_265 : i32
      %dma_start3A_267 = arith.constant 0 : i32
      %dma_start3A_268 = tpu.memref_slice %arg12[%select_n3A_266, %dma_start3A_267] : memref<250x80xi32, #tpu.memory_space<vmem>> -> memref<1x80xi32, #tpu.memory_space<vmem>>
      %dma_start3A_269 = tpu.memref_squeeze %dma_start3A_268 : memref<1x80xi32, #tpu.memory_space<vmem>> -> memref<80xi32, #tpu.memory_space<vmem>>
      %dma_start3A_270 = arith.constant 0 : i32
      %dma_start3A_271 = arith.constant 0 : i32
      %dma_start3A_272 = tpu.memref_slice %arg2[%arg0, %dma_start3A_270, %dma_start3A_271] : memref<2x10000x64xf32, #tpu.memory_space<hbm>> -> memref<1x10000x64xf32, #tpu.memory_space<hbm>>
      %dma_start3A_273 = tpu.memref_squeeze %dma_start3A_272 : memref<1x10000x64xf32, #tpu.memory_space<hbm>> -> memref<10000x64xf32, #tpu.memory_space<hbm>>
      %dma_start3A_274 = arith.constant 0 : i32
      %dma_start3A_275 = arith.constant 0 : i32
      %dma_start3A_276 = tpu.memref_slice %dma_start3A_273[%dma_start3A_274, %dma_start3A_275] : memref<10000x64xf32, #tpu.memory_space<hbm>> -> memref<10000x64xf32, #tpu.memory_space<hbm>>
      tpu.enqueue_indirect_dma source(%dma_start3A_276 : memref<10000x64xf32, #tpu.memory_space<hbm>>) target(%arg8 : memref<80x64xf32, #tpu.memory_space<vmem>>) offsets(%dma_start3A_269 : memref<80xi32, #tpu.memory_space<vmem>>) semaphore(%arg18 : memref<!tpu.dma_semaphore, #tpu.memory_space<semaphore_mem>>)
      %get3A_277 = arith.index_cast %add3A_248 : i32 to index
      %get3A_278 = arith.constant 0 : index
      %get3A_279 = tpu.vector_load %arg12[%get3A_277, %get3A_278] {strides = array<i32>} : memref<250x80xi32, #tpu.memory_space<vmem>>, vector<16xi32>,
      tpu.vector_store_idx %arg15[%get3A_279], %broadcast_in_dim3A_50 {add = true} : memref<10000xf32, #tpu.memory_space<vmem>>[vector<16xi32>], vector<16xf32>,
      %get3A_280 = arith.index_cast %add3A_248 : i32 to index
      %get3A_281 = arith.constant 16 : index
      %get3A_282 = tpu.vector_load %arg12[%get3A_280, %get3A_281] {strides = array<i32>} : memref<250x80xi32, #tpu.memory_space<vmem>>, vector<16xi32>,
      tpu.vector_store_idx %arg15[%get3A_282], %broadcast_in_dim3A_50 {add = true} : memref<10000xf32, #tpu.memory_space<vmem>>[vector<16xi32>], vector<16xf32>,
      %get3A_283 = arith.index_cast %add3A_248 : i32 to index
      %get3A_284 = arith.constant 32 : index
      %get3A_285 = tpu.vector_load %arg12[%get3A_283, %get3A_284] {strides = array<i32>} : memref<250x80xi32, #tpu.memory_space<vmem>>, vector<16xi32>,
      tpu.vector_store_idx %arg15[%get3A_285], %broadcast_in_dim3A_50 {add = true} : memref<10000xf32, #tpu.memory_space<vmem>>[vector<16xi32>], vector<16xf32>,
      %get3A_286 = arith.index_cast %add3A_248 : i32 to index
      %get3A_287 = arith.constant 48 : index
      %get3A_288 = tpu.vector_load %arg12[%get3A_286, %get3A_287] {strides = array<i32>} : memref<250x80xi32, #tpu.memory_space<vmem>>, vector<16xi32>,
      tpu.vector_store_idx %arg15[%get3A_288], %broadcast_in_dim3A_50 {add = true} : memref<10000xf32, #tpu.memory_space<vmem>>[vector<16xi32>], vector<16xf32>,
      %get3A_289 = arith.index_cast %add3A_248 : i32 to index
      %get3A_290 = arith.constant 64 : index
      %get3A_291 = tpu.vector_load %arg12[%get3A_289, %get3A_290] {strides = array<i32>} : memref<250x80xi32, #tpu.memory_space<vmem>>, vector<16xi32>,
      tpu.vector_store_idx %arg15[%get3A_291], %broadcast_in_dim3A_50 {add = true} : memref<10000xf32, #tpu.memory_space<vmem>>[vector<16xi32>], vector<16xf32>,
      "tpu.region"() ({
        %run_scoped3A = tpu.sem_alloc : memref<!tpu.dma_semaphore, #tpu.memory_space<semaphore_mem>>
        %dma_start3A_383 = arith.constant 0 : i32
        %dma_start3A_384 = tpu.memref_slice %arg13[%add3A_248, %dma_start3A_383] : memref<250x80xi32, #tpu.memory_space<vmem>> -> memref<1x80xi32, #tpu.memory_space<vmem>>
        %dma_start3A_385 = tpu.memref_squeeze %dma_start3A_384 : memref<1x80xi32, #tpu.memory_space<vmem>> -> memref<80xi32, #tpu.memory_space<vmem>>
        %dma_start3A_386 = arith.constant 0 : i32
        %dma_start3A_387 = arith.constant 0 : i32
        %dma_start3A_388 = tpu.memref_slice %arg16[%dma_start3A_386, %dma_start3A_387] : memref<10000x64xf32, #tpu.memory_space<vmem_shared>> -> memref<10000x64xf32, #tpu.memory_space<vmem_shared>>
        tpu.enqueue_indirect_dma source(%arg9 : memref<80x64xf32, #tpu.memory_space<vmem>>) target(%dma_start3A_388 : memref<10000x64xf32, #tpu.memory_space<vmem_shared>>) offsets(%dma_start3A_385 : memref<80xi32, #tpu.memory_space<vmem>>) semaphore(%run_scoped3A : memref<!tpu.dma_semaphore, #tpu.memory_space<semaphore_mem>>) {add = true}
        %dma_wait3A_389 = arith.constant 0 : i32
        %dma_wait3A_390 = tpu.memref_slice %arg13[%add3A_248, %dma_wait3A_389] : memref<250x80xi32, #tpu.memory_space<vmem>> -> memref<1x80xi32, #tpu.memory_space<vmem>>
        %dma_wait3A_391 = tpu.memref_squeeze %dma_wait3A_390 : memref<1x80xi32, #tpu.memory_space<vmem>> -> memref<80xi32, #tpu.memory_space<vmem>>
        %dma_wait3A_392 = arith.constant 0 : i32
        %dma_wait3A_393 = arith.constant 0 : i32
        %dma_wait3A_394 = tpu.memref_slice %arg16[%dma_wait3A_392, %dma_wait3A_393] : memref<10000x64xf32, #tpu.memory_space<vmem_shared>> -> memref<10000x64xf32, #tpu.memory_space<vmem_shared>>
        tpu.wait_indirect_dma semaphore(%run_scoped3A : memref<!tpu.dma_semaphore, #tpu.memory_space<semaphore_mem>>) src(%arg9 : memref<80x64xf32, #tpu.memory_space<vmem>>) dst(%dma_wait3A_394 : memref<10000x64xf32, #tpu.memory_space<vmem_shared>>)
        tpu.yield
      }) : () -> ()
      %add3A_292 = arith.constant 3 : i32
      %add3A_293 = arith.addi %mul3A_160, %add3A_292 : i32
      %dma_wait3A_294 = arith.constant 0 : i32
      %dma_wait3A_295 = tpu.memref_slice %arg12[%add3A_293, %dma_wait3A_294] : memref<250x80xi32, #tpu.memory_space<vmem>> -> memref<1x80xi32, #tpu.memory_space<vmem>>
      %dma_wait3A_296 = tpu.memref_squeeze %dma_wait3A_295 : memref<1x80xi32, #tpu.memory_space<vmem>> -> memref<80xi32, #tpu.memory_space<vmem>>
      %dma_wait3A_297 = arith.constant 0 : i32
      %dma_wait3A_298 = arith.constant 0 : i32
      %dma_wait3A_299 = tpu.memref_slice %arg2[%arg0, %dma_wait3A_297, %dma_wait3A_298] : memref<2x10000x64xf32, #tpu.memory_space<hbm>> -> memref<1x10000x64xf32, #tpu.memory_space<hbm>>
      %dma_wait3A_300 = tpu.memref_squeeze %dma_wait3A_299 : memref<1x10000x64xf32, #tpu.memory_space<hbm>> -> memref<10000x64xf32, #tpu.memory_space<hbm>>
      %dma_wait3A_301 = arith.constant 0 : i32
      %dma_wait3A_302 = arith.constant 0 : i32
      %dma_wait3A_303 = tpu.memref_slice %dma_wait3A_300[%dma_wait3A_301, %dma_wait3A_302] : memref<10000x64xf32, #tpu.memory_space<hbm>> -> memref<10000x64xf32, #tpu.memory_space<hbm>>
      tpu.wait_indirect_dma semaphore(%arg20 : memref<!tpu.dma_semaphore, #tpu.memory_space<semaphore_mem>>) src(%dma_wait3A_303 : memref<10000x64xf32, #tpu.memory_space<hbm>>) dst(%arg10 : memref<80x64xf32, #tpu.memory_space<vmem>>)
      %add3A_304 = arith.constant 4 : i32
      %add3A_305 = arith.addi %add3A_293, %add3A_304 : i32
      %lt3A_306 = arith.constant 250 : i32
      %lt3A_307 = arith.cmpi slt, %add3A_305, %lt3A_306 : i32
      %add3A_308 = arith.constant 4 : i32
      %add3A_309 = arith.addi %add3A_293, %add3A_308 : i32
      %jit3A_310 = arith.constant 0 : i32
      %select_n3A_311 = arith.select %lt3A_307, %add3A_309, %jit3A_310 : i32
      %dma_start3A_312 = arith.constant 0 : i32
      %dma_start3A_313 = tpu.memref_slice %arg12[%select_n3A_311, %dma_start3A_312] : memref<250x80xi32, #tpu.memory_space<vmem>> -> memref<1x80xi32, #tpu.memory_space<vmem>>
      %dma_start3A_314 = tpu.memref_squeeze %dma_start3A_313 : memref<1x80xi32, #tpu.memory_space<vmem>> -> memref<80xi32, #tpu.memory_space<vmem>>
      %dma_start3A_315 = arith.constant 0 : i32
      %dma_start3A_316 = arith.constant 0 : i32
      %dma_start3A_317 = tpu.memref_slice %arg2[%arg0, %dma_start3A_315, %dma_start3A_316] : memref<2x10000x64xf32, #tpu.memory_space<hbm>> -> memref<1x10000x64xf32, #tpu.memory_space<hbm>>
      %dma_start3A_318 = tpu.memref_squeeze %dma_start3A_317 : memref<1x10000x64xf32, #tpu.memory_space<hbm>> -> memref<10000x64xf32, #tpu.memory_space<hbm>>
      %dma_start3A_319 = arith.constant 0 : i32
      %dma_start3A_320 = arith.constant 0 : i32
      %dma_start3A_321 = tpu.memref_slice %dma_start3A_318[%dma_start3A_319, %dma_start3A_320] : memref<10000x64xf32, #tpu.memory_space<hbm>> -> memref<10000x64xf32, #tpu.memory_space<hbm>>
      tpu.enqueue_indirect_dma source(%dma_start3A_321 : memref<10000x64xf32, #tpu.memory_space<hbm>>) target(%arg9 : memref<80x64xf32, #tpu.memory_space<vmem>>) offsets(%dma_start3A_314 : memref<80xi32, #tpu.memory_space<vmem>>) semaphore(%arg19 : memref<!tpu.dma_semaphore, #tpu.memory_space<semaphore_mem>>)
      %get3A_322 = arith.index_cast %add3A_293 : i32 to index
      %get3A_323 = arith.constant 0 : index
      %get3A_324 = tpu.vector_load %arg12[%get3A_322, %get3A_323] {strides = array<i32>} : memref<250x80xi32, #tpu.memory_space<vmem>>, vector<16xi32>,
      tpu.vector_store_idx %arg15[%get3A_324], %broadcast_in_dim3A_50 {add = true} : memref<10000xf32, #tpu.memory_space<vmem>>[vector<16xi32>], vector<16xf32>,
      %get3A_325 = arith.index_cast %add3A_293 : i32 to index
      %get3A_326 = arith.constant 16 : index
      %get3A_327 = tpu.vector_load %arg12[%get3A_325, %get3A_326] {strides = array<i32>} : memref<250x80xi32, #tpu.memory_space<vmem>>, vector<16xi32>,
      tpu.vector_store_idx %arg15[%get3A_327], %broadcast_in_dim3A_50 {add = true} : memref<10000xf32, #tpu.memory_space<vmem>>[vector<16xi32>], vector<16xf32>,
      %get3A_328 = arith.index_cast %add3A_293 : i32 to index
      %get3A_329 = arith.constant 32 : index
      %get3A_330 = tpu.vector_load %arg12[%get3A_328, %get3A_329] {strides = array<i32>} : memref<250x80xi32, #tpu.memory_space<vmem>>, vector<16xi32>,
      tpu.vector_store_idx %arg15[%get3A_330], %broadcast_in_dim3A_50 {add = true} : memref<10000xf32, #tpu.memory_space<vmem>>[vector<16xi32>], vector<16xf32>,
      %get3A_331 = arith.index_cast %add3A_293 : i32 to index
      %get3A_332 = arith.constant 48 : index
      %get3A_333 = tpu.vector_load %arg12[%get3A_331, %get3A_332] {strides = array<i32>} : memref<250x80xi32, #tpu.memory_space<vmem>>, vector<16xi32>,
      tpu.vector_store_idx %arg15[%get3A_333], %broadcast_in_dim3A_50 {add = true} : memref<10000xf32, #tpu.memory_space<vmem>>[vector<16xi32>], vector<16xf32>,
      %get3A_334 = arith.index_cast %add3A_293 : i32 to index
      %get3A_335 = arith.constant 64 : index
      %get3A_336 = tpu.vector_load %arg12[%get3A_334, %get3A_335] {strides = array<i32>} : memref<250x80xi32, #tpu.memory_space<vmem>>, vector<16xi32>,
      tpu.vector_store_idx %arg15[%get3A_336], %broadcast_in_dim3A_50 {add = true} : memref<10000xf32, #tpu.memory_space<vmem>>[vector<16xi32>], vector<16xf32>,
      "tpu.region"() ({
        %run_scoped3A = tpu.sem_alloc : memref<!tpu.dma_semaphore, #tpu.memory_space<semaphore_mem>>
        %dma_start3A_383 = arith.constant 0 : i32
        %dma_start3A_384 = tpu.memref_slice %arg13[%add3A_293, %dma_start3A_383] : memref<250x80xi32, #tpu.memory_space<vmem>> -> memref<1x80xi32, #tpu.memory_space<vmem>>
        %dma_start3A_385 = tpu.memref_squeeze %dma_start3A_384 : memref<1x80xi32, #tpu.memory_space<vmem>> -> memref<80xi32, #tpu.memory_space<vmem>>
        %dma_start3A_386 = arith.constant 0 : i32
        %dma_start3A_387 = arith.constant 0 : i32
        %dma_start3A_388 = tpu.memref_slice %arg16[%dma_start3A_386, %dma_start3A_387] : memref<10000x64xf32, #tpu.memory_space<vmem_shared>> -> memref<10000x64xf32, #tpu.memory_space<vmem_shared>>
        tpu.enqueue_indirect_dma source(%arg10 : memref<80x64xf32, #tpu.memory_space<vmem>>) target(%dma_start3A_388 : memref<10000x64xf32, #tpu.memory_space<vmem_shared>>) offsets(%dma_start3A_385 : memref<80xi32, #tpu.memory_space<vmem>>) semaphore(%run_scoped3A : memref<!tpu.dma_semaphore, #tpu.memory_space<semaphore_mem>>) {add = true}
        %dma_wait3A_389 = arith.constant 0 : i32
        %dma_wait3A_390 = tpu.memref_slice %arg13[%add3A_293, %dma_wait3A_389] : memref<250x80xi32, #tpu.memory_space<vmem>> -> memref<1x80xi32, #tpu.memory_space<vmem>>
        %dma_wait3A_391 = tpu.memref_squeeze %dma_wait3A_390 : memref<1x80xi32, #tpu.memory_space<vmem>> -> memref<80xi32, #tpu.memory_space<vmem>>
        %dma_wait3A_392 = arith.constant 0 : i32
        %dma_wait3A_393 = arith.constant 0 : i32
        %dma_wait3A_394 = tpu.memref_slice %arg16[%dma_wait3A_392, %dma_wait3A_393] : memref<10000x64xf32, #tpu.memory_space<vmem_shared>> -> memref<10000x64xf32, #tpu.memory_space<vmem_shared>>
        tpu.wait_indirect_dma semaphore(%run_scoped3A : memref<!tpu.dma_semaphore, #tpu.memory_space<semaphore_mem>>) src(%arg10 : memref<80x64xf32, #tpu.memory_space<vmem>>) dst(%dma_wait3A_394 : memref<10000x64xf32, #tpu.memory_space<vmem_shared>>)
        tpu.yield
      }) : () -> ()
      %add3A_337 = arith.constant 4 : i32
      %add3A_338 = arith.addi %mul3A_160, %add3A_337 : i32
      %dma_wait3A_339 = arith.constant 0 : i32
      %dma_wait3A_340 = tpu.memref_slice %arg12[%add3A_338, %dma_wait3A_339] : memref<250x80xi32, #tpu.memory_space<vmem>> -> memref<1x80xi32, #tpu.memory_space<vmem>>
      %dma_wait3A_341 = tpu.memref_squeeze %dma_wait3A_340 : memref<1x80xi32, #tpu.memory_space<vmem>> -> memref<80xi32, #tpu.memory_space<vmem>>
      %dma_wait3A_342 = arith.constant 0 : i32
      %dma_wait3A_343 = arith.constant 0 : i32
      %dma_wait3A_344 = tpu.memref_slice %arg2[%arg0, %dma_wait3A_342, %dma_wait3A_343] : memref<2x10000x64xf32, #tpu.memory_space<hbm>> -> memref<1x10000x64xf32, #tpu.memory_space<hbm>>
      %dma_wait3A_345 = tpu.memref_squeeze %dma_wait3A_344 : memref<1x10000x64xf32, #tpu.memory_space<hbm>> -> memref<10000x64xf32, #tpu.memory_space<hbm>>
      %dma_wait3A_346 = arith.constant 0 : i32
      %dma_wait3A_347 = arith.constant 0 : i32
      %dma_wait3A_348 = tpu.memref_slice %dma_wait3A_345[%dma_wait3A_346, %dma_wait3A_347] : memref<10000x64xf32, #tpu.memory_space<hbm>> -> memref<10000x64xf32, #tpu.memory_space<hbm>>
      tpu.wait_indirect_dma semaphore(%arg21 : memref<!tpu.dma_semaphore, #tpu.memory_space<semaphore_mem>>) src(%dma_wait3A_348 : memref<10000x64xf32, #tpu.memory_space<hbm>>) dst(%arg11 : memref<80x64xf32, #tpu.memory_space<vmem>>)
      %add3A_349 = arith.constant 4 : i32
      %add3A_350 = arith.addi %add3A_338, %add3A_349 : i32
      %lt3A_351 = arith.constant 250 : i32
      %lt3A_352 = arith.cmpi slt, %add3A_350, %lt3A_351 : i32
      %add3A_353 = arith.constant 4 : i32
      %add3A_354 = arith.addi %add3A_338, %add3A_353 : i32
      %jit3A_355 = arith.constant 0 : i32
      %select_n3A_356 = arith.select %lt3A_352, %add3A_354, %jit3A_355 : i32
      %dma_start3A_357 = arith.constant 0 : i32
      %dma_start3A_358 = tpu.memref_slice %arg12[%select_n3A_356, %dma_start3A_357] : memref<250x80xi32, #tpu.memory_space<vmem>> -> memref<1x80xi32, #tpu.memory_space<vmem>>
      %dma_start3A_359 = tpu.memref_squeeze %dma_start3A_358 : memref<1x80xi32, #tpu.memory_space<vmem>> -> memref<80xi32, #tpu.memory_space<vmem>>
      %dma_start3A_360 = arith.constant 0 : i32
      %dma_start3A_361 = arith.constant 0 : i32
      %dma_start3A_362 = tpu.memref_slice %arg2[%arg0, %dma_start3A_360, %dma_start3A_361] : memref<2x10000x64xf32, #tpu.memory_space<hbm>> -> memref<1x10000x64xf32, #tpu.memory_space<hbm>>
      %dma_start3A_363 = tpu.memref_squeeze %dma_start3A_362 : memref<1x10000x64xf32, #tpu.memory_space<hbm>> -> memref<10000x64xf32, #tpu.memory_space<hbm>>
      %dma_start3A_364 = arith.constant 0 : i32
      %dma_start3A_365 = arith.constant 0 : i32
      %dma_start3A_366 = tpu.memref_slice %dma_start3A_363[%dma_start3A_364, %dma_start3A_365] : memref<10000x64xf32, #tpu.memory_space<hbm>> -> memref<10000x64xf32, #tpu.memory_space<hbm>>
      tpu.enqueue_indirect_dma source(%dma_start3A_366 : memref<10000x64xf32, #tpu.memory_space<hbm>>) target(%arg10 : memref<80x64xf32, #tpu.memory_space<vmem>>) offsets(%dma_start3A_359 : memref<80xi32, #tpu.memory_space<vmem>>) semaphore(%arg20 : memref<!tpu.dma_semaphore, #tpu.memory_space<semaphore_mem>>)
      %get3A_367 = arith.index_cast %add3A_338 : i32 to index
      %get3A_368 = arith.constant 0 : index
      %get3A_369 = tpu.vector_load %arg12[%get3A_367, %get3A_368] {strides = array<i32>} : memref<250x80xi32, #tpu.memory_space<vmem>>, vector<16xi32>,
      tpu.vector_store_idx %arg15[%get3A_369], %broadcast_in_dim3A_50 {add = true} : memref<10000xf32, #tpu.memory_space<vmem>>[vector<16xi32>], vector<16xf32>,
      %get3A_370 = arith.index_cast %add3A_338 : i32 to index
      %get3A_371 = arith.constant 16 : index
      %get3A_372 = tpu.vector_load %arg12[%get3A_370, %get3A_371] {strides = array<i32>} : memref<250x80xi32, #tpu.memory_space<vmem>>, vector<16xi32>,
      tpu.vector_store_idx %arg15[%get3A_372], %broadcast_in_dim3A_50 {add = true} : memref<10000xf32, #tpu.memory_space<vmem>>[vector<16xi32>], vector<16xf32>,
      %get3A_373 = arith.index_cast %add3A_338 : i32 to index
      %get3A_374 = arith.constant 32 : index
      %get3A_375 = tpu.vector_load %arg12[%get3A_373, %get3A_374] {strides = array<i32>} : memref<250x80xi32, #tpu.memory_space<vmem>>, vector<16xi32>,
      tpu.vector_store_idx %arg15[%get3A_375], %broadcast_in_dim3A_50 {add = true} : memref<10000xf32, #tpu.memory_space<vmem>>[vector<16xi32>], vector<16xf32>,
      %get3A_376 = arith.index_cast %add3A_338 : i32 to index
      %get3A_377 = arith.constant 48 : index
      %get3A_378 = tpu.vector_load %arg12[%get3A_376, %get3A_377] {strides = array<i32>} : memref<250x80xi32, #tpu.memory_space<vmem>>, vector<16xi32>,
      tpu.vector_store_idx %arg15[%get3A_378], %broadcast_in_dim3A_50 {add = true} : memref<10000xf32, #tpu.memory_space<vmem>>[vector<16xi32>], vector<16xf32>,
      %get3A_379 = arith.index_cast %add3A_338 : i32 to index
      %get3A_380 = arith.constant 64 : index
      %get3A_381 = tpu.vector_load %arg12[%get3A_379, %get3A_380] {strides = array<i32>} : memref<250x80xi32, #tpu.memory_space<vmem>>, vector<16xi32>,
      tpu.vector_store_idx %arg15[%get3A_381], %broadcast_in_dim3A_50 {add = true} : memref<10000xf32, #tpu.memory_space<vmem>>[vector<16xi32>], vector<16xf32>,
      "tpu.region"() ({
        %run_scoped3A = tpu.sem_alloc : memref<!tpu.dma_semaphore, #tpu.memory_space<semaphore_mem>>
        %dma_start3A_383 = arith.constant 0 : i32
        %dma_start3A_384 = tpu.memref_slice %arg13[%add3A_338, %dma_start3A_383] : memref<250x80xi32, #tpu.memory_space<vmem>> -> memref<1x80xi32, #tpu.memory_space<vmem>>
        %dma_start3A_385 = tpu.memref_squeeze %dma_start3A_384 : memref<1x80xi32, #tpu.memory_space<vmem>> -> memref<80xi32, #tpu.memory_space<vmem>>
        %dma_start3A_386 = arith.constant 0 : i32
        %dma_start3A_387 = arith.constant 0 : i32
        %dma_start3A_388 = tpu.memref_slice %arg16[%dma_start3A_386, %dma_start3A_387] : memref<10000x64xf32, #tpu.memory_space<vmem_shared>> -> memref<10000x64xf32, #tpu.memory_space<vmem_shared>>
        tpu.enqueue_indirect_dma source(%arg11 : memref<80x64xf32, #tpu.memory_space<vmem>>) target(%dma_start3A_388 : memref<10000x64xf32, #tpu.memory_space<vmem_shared>>) offsets(%dma_start3A_385 : memref<80xi32, #tpu.memory_space<vmem>>) semaphore(%run_scoped3A : memref<!tpu.dma_semaphore, #tpu.memory_space<semaphore_mem>>) {add = true}
        %dma_wait3A_389 = arith.constant 0 : i32
        %dma_wait3A_390 = tpu.memref_slice %arg13[%add3A_338, %dma_wait3A_389] : memref<250x80xi32, #tpu.memory_space<vmem>> -> memref<1x80xi32, #tpu.memory_space<vmem>>
        %dma_wait3A_391 = tpu.memref_squeeze %dma_wait3A_390 : memref<1x80xi32, #tpu.memory_space<vmem>> -> memref<80xi32, #tpu.memory_space<vmem>>
        %dma_wait3A_392 = arith.constant 0 : i32
        %dma_wait3A_393 = arith.constant 0 : i32
        %dma_wait3A_394 = tpu.memref_slice %arg16[%dma_wait3A_392, %dma_wait3A_393] : memref<10000x64xf32, #tpu.memory_space<vmem_shared>> -> memref<10000x64xf32, #tpu.memory_space<vmem_shared>>
        tpu.wait_indirect_dma semaphore(%run_scoped3A : memref<!tpu.dma_semaphore, #tpu.memory_space<semaphore_mem>>) src(%arg11 : memref<80x64xf32, #tpu.memory_space<vmem>>) dst(%dma_wait3A_394 : memref<10000x64xf32, #tpu.memory_space<vmem_shared>>)
        tpu.yield
      }) : () -> ()
      %scan3A_382 = arith.constant 0 : i32
      scf.yield %scan3A_382 : i32
    }
    %scan3A_101 = arith.constant 50 : i32
    %dma_wait3A_102 = arith.constant 0 : i32
    %dma_wait3A_103 = arith.constant 0 : i32
    %dma_wait3A_104 = tpu.memref_slice %arg12[%dma_wait3A_102, %dma_wait3A_103] : memref<250x80xi32, #tpu.memory_space<vmem>> -> memref<1x80xi32, #tpu.memory_space<vmem>>
    %dma_wait3A_105 = tpu.memref_squeeze %dma_wait3A_104 : memref<1x80xi32, #tpu.memory_space<vmem>> -> memref<80xi32, #tpu.memory_space<vmem>>
    %dma_wait3A_106 = arith.constant 0 : i32
    %dma_wait3A_107 = arith.constant 0 : i32
    %dma_wait3A_108 = tpu.memref_slice %arg2[%arg0, %dma_wait3A_106, %dma_wait3A_107] : memref<2x10000x64xf32, #tpu.memory_space<hbm>> -> memref<1x10000x64xf32, #tpu.memory_space<hbm>>
    %dma_wait3A_109 = tpu.memref_squeeze %dma_wait3A_108 : memref<1x10000x64xf32, #tpu.memory_space<hbm>> -> memref<10000x64xf32, #tpu.memory_space<hbm>>
    %dma_wait3A_110 = arith.constant 0 : i32
    %dma_wait3A_111 = arith.constant 0 : i32
    %dma_wait3A_112 = tpu.memref_slice %dma_wait3A_109[%dma_wait3A_110, %dma_wait3A_111] : memref<10000x64xf32, #tpu.memory_space<hbm>> -> memref<10000x64xf32, #tpu.memory_space<hbm>>
    tpu.wait_indirect_dma semaphore(%arg17 : memref<!tpu.dma_semaphore, #tpu.memory_space<semaphore_mem>>) src(%dma_wait3A_112 : memref<10000x64xf32, #tpu.memory_space<hbm>>) dst(%arg7 : memref<80x64xf32, #tpu.memory_space<vmem>>)
    %dma_wait3A_113 = arith.constant 0 : i32
    %dma_wait3A_114 = arith.constant 0 : i32
    %dma_wait3A_115 = tpu.memref_slice %arg12[%dma_wait3A_113, %dma_wait3A_114] : memref<250x80xi32, #tpu.memory_space<vmem>> -> memref<1x80xi32, #tpu.memory_space<vmem>>
    %dma_wait3A_116 = tpu.memref_squeeze %dma_wait3A_115 : memref<1x80xi32, #tpu.memory_space<vmem>> -> memref<80xi32, #tpu.memory_space<vmem>>
    %dma_wait3A_117 = arith.constant 0 : i32
    %dma_wait3A_118 = arith.constant 0 : i32
    %dma_wait3A_119 = tpu.memref_slice %arg2[%arg0, %dma_wait3A_117, %dma_wait3A_118] : memref<2x10000x64xf32, #tpu.memory_space<hbm>> -> memref<1x10000x64xf32, #tpu.memory_space<hbm>>
    %dma_wait3A_120 = tpu.memref_squeeze %dma_wait3A_119 : memref<1x10000x64xf32, #tpu.memory_space<hbm>> -> memref<10000x64xf32, #tpu.memory_space<hbm>>
    %dma_wait3A_121 = arith.constant 0 : i32
    %dma_wait3A_122 = arith.constant 0 : i32
    %dma_wait3A_123 = tpu.memref_slice %dma_wait3A_120[%dma_wait3A_121, %dma_wait3A_122] : memref<10000x64xf32, #tpu.memory_space<hbm>> -> memref<10000x64xf32, #tpu.memory_space<hbm>>
    tpu.wait_indirect_dma semaphore(%arg18 : memref<!tpu.dma_semaphore, #tpu.memory_space<semaphore_mem>>) src(%dma_wait3A_123 : memref<10000x64xf32, #tpu.memory_space<hbm>>) dst(%arg8 : memref<80x64xf32, #tpu.memory_space<vmem>>)
    %dma_wait3A_124 = arith.constant 0 : i32
    %dma_wait3A_125 = arith.constant 0 : i32
    %dma_wait3A_126 = tpu.memref_slice %arg12[%dma_wait3A_124, %dma_wait3A_125] : memref<250x80xi32, #tpu.memory_space<vmem>> -> memref<1x80xi32, #tpu.memory_space<vmem>>
    %dma_wait3A_127 = tpu.memref_squeeze %dma_wait3A_126 : memref<1x80xi32, #tpu.memory_space<vmem>> -> memref<80xi32, #tpu.memory_space<vmem>>
    %dma_wait3A_128 = arith.constant 0 : i32
    %dma_wait3A_129 = arith.constant 0 : i32
    %dma_wait3A_130 = tpu.memref_slice %arg2[%arg0, %dma_wait3A_128, %dma_wait3A_129] : memref<2x10000x64xf32, #tpu.memory_space<hbm>> -> memref<1x10000x64xf32, #tpu.memory_space<hbm>>
    %dma_wait3A_131 = tpu.memref_squeeze %dma_wait3A_130 : memref<1x10000x64xf32, #tpu.memory_space<hbm>> -> memref<10000x64xf32, #tpu.memory_space<hbm>>
    %dma_wait3A_132 = arith.constant 0 : i32
    %dma_wait3A_133 = arith.constant 0 : i32
    %dma_wait3A_134 = tpu.memref_slice %dma_wait3A_131[%dma_wait3A_132, %dma_wait3A_133] : memref<10000x64xf32, #tpu.memory_space<hbm>> -> memref<10000x64xf32, #tpu.memory_space<hbm>>
    tpu.wait_indirect_dma semaphore(%arg19 : memref<!tpu.dma_semaphore, #tpu.memory_space<semaphore_mem>>) src(%dma_wait3A_134 : memref<10000x64xf32, #tpu.memory_space<hbm>>) dst(%arg9 : memref<80x64xf32, #tpu.memory_space<vmem>>)
    %dma_wait3A_135 = arith.constant 0 : i32
    %dma_wait3A_136 = arith.constant 0 : i32
    %dma_wait3A_137 = tpu.memref_slice %arg12[%dma_wait3A_135, %dma_wait3A_136] : memref<250x80xi32, #tpu.memory_space<vmem>> -> memref<1x80xi32, #tpu.memory_space<vmem>>
    %dma_wait3A_138 = tpu.memref_squeeze %dma_wait3A_137 : memref<1x80xi32, #tpu.memory_space<vmem>> -> memref<80xi32, #tpu.memory_space<vmem>>
    %dma_wait3A_139 = arith.constant 0 : i32
    %dma_wait3A_140 = arith.constant 0 : i32
    %dma_wait3A_141 = tpu.memref_slice %arg2[%arg0, %dma_wait3A_139, %dma_wait3A_140] : memref<2x10000x64xf32, #tpu.memory_space<hbm>> -> memref<1x10000x64xf32, #tpu.memory_space<hbm>>
    %dma_wait3A_142 = tpu.memref_squeeze %dma_wait3A_141 : memref<1x10000x64xf32, #tpu.memory_space<hbm>> -> memref<10000x64xf32, #tpu.memory_space<hbm>>
    %dma_wait3A_143 = arith.constant 0 : i32
    %dma_wait3A_144 = arith.constant 0 : i32
    %dma_wait3A_145 = tpu.memref_slice %dma_wait3A_142[%dma_wait3A_143, %dma_wait3A_144] : memref<10000x64xf32, #tpu.memory_space<hbm>> -> memref<10000x64xf32, #tpu.memory_space<hbm>>
    tpu.wait_indirect_dma semaphore(%arg20 : memref<!tpu.dma_semaphore, #tpu.memory_space<semaphore_mem>>) src(%dma_wait3A_145 : memref<10000x64xf32, #tpu.memory_space<hbm>>) dst(%arg10 : memref<80x64xf32, #tpu.memory_space<vmem>>)
    %mul3A = arith.constant 16 : i32
    %mul3A_146 = arith.muli %arg0, %mul3A : i32
    %add3A = arith.addi %mul3A_146, %arg1 : i32
    %mul3A_147 = arith.constant 10000 : i32
    %mul3A_148 = arith.muli %add3A, %mul3A_147 : i32
    "tpu.region"() ({
      %run_scoped3A = tpu.sem_alloc : memref<!tpu.dma_semaphore, #tpu.memory_space<semaphore_mem>>
      %dma_start3A_157 = tpu.memref_slice %arg6[%mul3A_148] : memref<320000xf32, #tpu.memory_space<hbm>> -> memref<10000xf32, #tpu.memory_space<hbm>>
      %dma_start3A_158 = tpu.memref_slice %arg6[%mul3A_148] : memref<320000xf32, #tpu.memory_space<hbm>> -> memref<10000xf32, #tpu.memory_space<hbm>>
      tpu.enqueue_dma source(%arg15 : memref<10000xf32, #tpu.memory_space<vmem>>) target(%dma_start3A_158 : memref<10000xf32, #tpu.memory_space<hbm>>) target_semaphore(%run_scoped3A : memref<!tpu.dma_semaphore, #tpu.memory_space<semaphore_mem>>)
      %dma_wait3A_159 = tpu.memref_slice %arg6[%mul3A_148] : memref<320000xf32, #tpu.memory_space<hbm>> -> memref<10000xf32, #tpu.memory_space<hbm>>
      %dma_wait3A_160 = tpu.memref_slice %arg6[%mul3A_148] : memref<320000xf32, #tpu.memory_space<hbm>> -> memref<10000xf32, #tpu.memory_space<hbm>>
      tpu.wait_dma2 semaphore(%run_scoped3A : memref<!tpu.dma_semaphore, #tpu.memory_space<semaphore_mem>>) src(%arg15 : memref<10000xf32, #tpu.memory_space<vmem>>) dst(%dma_wait3A_160 : memref<10000xf32, #tpu.memory_space<hbm>>)
      tpu.yield
    }) : () -> ()
    %barrier3A_149 = arith.constant 0 : index
    tpu.barrier barrier_id(%barrier3A_149)
    %scan3A_150 = arith.constant 0 : i32
    %scan3A_151 = arith.constant 0 : i32
    %scan3A_152 = arith.constant 4 : i32
    %scan3A_153 = arith.addi %scan3A_151, %scan3A_152 : i32
    %scan3A_154 = arith.constant 1 : i32
    %scan3A_155 = scf.for %scan3A_157 = %scan3A_151 to %scan3A_153 step %scan3A_154 iter_args(%scan3A_158 = %scan3A_150) -> (i32)  : i32 {
      %mul3A_159 = arith.constant 16 : i32
      %mul3A_160 = arith.muli %scan3A_157, %mul3A_159 : i32
      %add3A_161 = arith.addi %arg1, %mul3A_160 : i32
      %lt3A = arith.constant 50 : i32
      %lt3A_162 = arith.cmpi slt, %add3A_161, %lt3A : i32
      %convert_element_type3A = arith.extui %lt3A_162 : i1 to i32
      %cond3A = arith.constant 0 : i32
      %cond3A_163 = arith.cmpi ne, %convert_element_type3A, %cond3A : i32
      scf.if %cond3A_163 {
        %mul3A_165 = arith.constant 200 : i32
        %mul3A_166 = arith.muli %add3A_161, %mul3A_165 : i32
        "tpu.region"() ({
          %run_scoped3A = tpu.sem_alloc : memref<!tpu.dma_semaphore, #tpu.memory_space<semaphore_mem>>
          %dma_start3A_167 = arith.constant 0 : i32
          %dma_start3A_168 = tpu.memref_slice %arg16[%mul3A_166, %dma_start3A_167] : memref<10000x64xf32, #tpu.memory_space<vmem_shared>> -> memref<200x64xf32, #tpu.memory_space<vmem_shared>>
          %dma_start3A_169 = arith.constant 0 : i32
          %dma_start3A_170 = tpu.memref_slice %arg16[%mul3A_166, %dma_start3A_169] : memref<10000x64xf32, #tpu.memory_space<vmem_shared>> -> memref<200x64xf32, #tpu.memory_space<vmem_shared>>
          tpu.enqueue_dma source(%dma_start3A_170 : memref<200x64xf32, #tpu.memory_space<vmem_shared>>) target(%arg14 : memref<200x64xf32, #tpu.memory_space<vmem>>) target_semaphore(%run_scoped3A : memref<!tpu.dma_semaphore, #tpu.memory_space<semaphore_mem>>)
          %dma_wait3A_171 = arith.constant 0 : i32
          %dma_wait3A_172 = tpu.memref_slice %arg16[%mul3A_166, %dma_wait3A_171] : memref<10000x64xf32, #tpu.memory_space<vmem_shared>> -> memref<200x64xf32, #tpu.memory_space<vmem_shared>>
          %dma_wait3A_173 = arith.constant 0 : i32
          %dma_wait3A_174 = tpu.memref_slice %arg16[%mul3A_166, %dma_wait3A_173] : memref<10000x64xf32, #tpu.memory_space<vmem_shared>> -> memref<200x64xf32, #tpu.memory_space<vmem_shared>>
          tpu.wait_dma2 semaphore(%run_scoped3A : memref<!tpu.dma_semaphore, #tpu.memory_space<semaphore_mem>>) src(%dma_wait3A_174 : memref<200x64xf32, #tpu.memory_space<vmem_shared>>) dst(%arg14 : memref<200x64xf32, #tpu.memory_space<vmem>>)
          tpu.yield
        }) : () -> ()
        "tpu.region"() ({
          %run_scoped3A = tpu.sem_alloc : memref<!tpu.dma_semaphore, #tpu.memory_space<semaphore_mem>>
          %dma_start3A_167 = arith.constant 0 : i32
          %dma_start3A_168 = tpu.memref_slice %arg5[%arg0, %mul3A_166, %dma_start3A_167] : memref<2x10000x64xf32, #tpu.memory_space<hbm>> -> memref<1x200x64xf32, #tpu.memory_space<hbm>>
          %dma_start3A_169 = tpu.memref_squeeze %dma_start3A_168 : memref<1x200x64xf32, #tpu.memory_space<hbm>> -> memref<200x64xf32, #tpu.memory_space<hbm>>
          %dma_start3A_170 = arith.constant 0 : i32
          %dma_start3A_171 = tpu.memref_slice %arg5[%arg0, %mul3A_166, %dma_start3A_170] : memref<2x10000x64xf32, #tpu.memory_space<hbm>> -> memref<1x200x64xf32, #tpu.memory_space<hbm>>
          %dma_start3A_172 = tpu.memref_squeeze %dma_start3A_171 : memref<1x200x64xf32, #tpu.memory_space<hbm>> -> memref<200x64xf32, #tpu.memory_space<hbm>>
          tpu.enqueue_dma source(%arg14 : memref<200x64xf32, #tpu.memory_space<vmem>>) target(%dma_start3A_172 : memref<200x64xf32, #tpu.memory_space<hbm>>) target_semaphore(%run_scoped3A : memref<!tpu.dma_semaphore, #tpu.memory_space<semaphore_mem>>)
          %dma_wait3A_173 = arith.constant 0 : i32
          %dma_wait3A_174 = tpu.memref_slice %arg5[%arg0, %mul3A_166, %dma_wait3A_173] : memref<2x10000x64xf32, #tpu.memory_space<hbm>> -> memref<1x200x64xf32, #tpu.memory_space<hbm>>
          %dma_wait3A_175 = tpu.memref_squeeze %dma_wait3A_174 : memref<1x200x64xf32, #tpu.memory_space<hbm>> -> memref<200x64xf32, #tpu.memory_space<hbm>>
          %dma_wait3A_176 = arith.constant 0 : i32
          %dma_wait3A_177 = tpu.memref_slice %arg5[%arg0, %mul3A_166, %dma_wait3A_176] : memref<2x10000x64xf32, #tpu.memory_space<hbm>> -> memref<1x200x64xf32, #tpu.memory_space<hbm>>
          %dma_wait3A_178 = tpu.memref_squeeze %dma_wait3A_177 : memref<1x200x64xf32, #tpu.memory_space<hbm>> -> memref<200x64xf32, #tpu.memory_space<hbm>>
          tpu.wait_dma2 semaphore(%run_scoped3A : memref<!tpu.dma_semaphore, #tpu.memory_space<semaphore_mem>>) src(%arg14 : memref<200x64xf32, #tpu.memory_space<vmem>>) dst(%dma_wait3A_178 : memref<200x64xf32, #tpu.memory_space<hbm>>)
          tpu.yield
        }) : () -> ()
      } else {
      }
      %scan3A_164 = arith.constant 0 : i32
      scf.yield %scan3A_164 : i32
    }
    %scan3A_156 = arith.constant 4 : i32
    return
  }
}

module attributes {stable_mosaic.version = 14 : i64} {
  func.func @_linear_body(%arg0: memref<10000x128xf32, #tpu.memory_space<vmem>>, %arg1: memref<128x128xf32, #tpu.memory_space<vmem>>, %arg2: memref<128xf32, #tpu.memory_space<vmem>>, %arg3: memref<2x10000x64xf32, #tpu.memory_space<vmem>>) attributes {dimension_semantics = [], scalar_prefetch = 0 : i64, scratch_operands = 0 : i64, tpu.core_type = #tpu.core_type<tc>} {
    %get3A = arith.constant 0 : index
    %get3A_0 = arith.constant 0 : index
    %get3A_1 = vector.load %arg0[%get3A, %get3A_0] : memref<10000x128xf32, #tpu.memory_space<vmem>>, vector<10000x128xf32>
    %get3A_2 = arith.constant 0 : index
    %get3A_3 = arith.constant 0 : index
    %get3A_4 = vector.load %arg1[%get3A_2, %get3A_3] : memref<128x128xf32, #tpu.memory_space<vmem>>, vector<128x128xf32>
    %dot_general3A = arith.constant dense<0.000000e+00> : vector<10000x128xf32>
    %dot_general3A_5 = tpu.matmul %get3A_1, %get3A_4, %dot_general3A {dimension_numbers = #tpu.dot_dimension_numbers<[1], [1], [0], [0], [0, 0, 1, 0], [], []>, transpose_lhs_hint = false} : vector<10000x128xf32>, vector<128x128xf32>, vector<10000x128xf32> -> vector<10000x128xf32>
    %get3A_6 = arith.constant 0 : index
    %get3A_7 = vector.load %arg2[%get3A_6] : memref<128xf32, #tpu.memory_space<vmem>>, vector<128xf32>
    %broadcast_in_dim3A = vector.shape_cast %get3A_7 : vector<128xf32> to vector<1x128xf32>
    %add3A = vector.broadcast %broadcast_in_dim3A : vector<1x128xf32> to vector<10000x128xf32>
    %add3A_8 = arith.addf %dot_general3A_5, %add3A : vector<10000x128xf32>
    %slice3A = vector.extract_strided_slice %add3A_8 {offsets = [0, 0], sizes = [10000, 64], strides = [1, 1]} : vector<10000x128xf32> to vector<10000x64xf32>
    %swap3A = arith.constant 0 : index
    %swap3A_9 = arith.constant 0 : index
    %swap3A_10 = arith.constant 0 : index
    %swap3A_11 = vector.load %arg3[%swap3A, %swap3A_9, %swap3A_10] : memref<2x10000x64xf32, #tpu.memory_space<vmem>>, vector<1x10000x64xf32>
    %swap3A_12 = vector.shape_cast %swap3A_11 : vector<1x10000x64xf32> to vector<10000x64xf32>
    %swap3A_13 = vector.shape_cast %slice3A : vector<10000x64xf32> to vector<1x10000x64xf32>
    tpu.vector_store %arg3[%swap3A, %swap3A_9, %swap3A_10], %swap3A_13 {strides = array<i32>} : memref<2x10000x64xf32, #tpu.memory_space<vmem>>, vector<1x10000x64xf32>,
    %slice3A_14 = vector.extract_strided_slice %add3A_8 {offsets = [0, 64], sizes = [10000, 64], strides = [1, 1]} : vector<10000x128xf32> to vector<10000x64xf32>
    %swap3A_15 = arith.constant 1 : index
    %swap3A_16 = arith.constant 0 : index
    %swap3A_17 = arith.constant 0 : index
    %swap3A_18 = vector.load %arg3[%swap3A_15, %swap3A_16, %swap3A_17] : memref<2x10000x64xf32, #tpu.memory_space<vmem>>, vector<1x10000x64xf32>
    %swap3A_19 = vector.shape_cast %swap3A_18 : vector<1x10000x64xf32> to vector<10000x64xf32>
    %swap3A_20 = vector.shape_cast %slice3A_14 : vector<10000x64xf32> to vector<1x10000x64xf32>
    tpu.vector_store %arg3[%swap3A_15, %swap3A_16, %swap3A_17], %swap3A_20 {strides = array<i32>} : memref<2x10000x64xf32, #tpu.memory_space<vmem>>, vector<1x10000x64xf32>,
    return
  }
}

module attributes {stable_mosaic.version = 14 : i64} {
  func.func @_combine_body(%arg0: memref<2x10000x64xf32, #tpu.memory_space<vmem>>, %arg1: memref<32x10000xf32, #tpu.memory_space<vmem>>, %arg2: memref<64x128xf32, #tpu.memory_space<vmem>>, %arg3: memref<64xf32, #tpu.memory_space<vmem>>, %arg4: memref<1x1xf32, #tpu.memory_space<vmem>>) attributes {dimension_semantics = [], scalar_prefetch = 0 : i64, scratch_operands = 0 : i64, tpu.core_type = #tpu.core_type<tc>} {
    %get3A = arith.constant 0 : index
    %get3A_0 = arith.constant 0 : index
    %get3A_1 = vector.load %arg2[%get3A, %get3A_0] : memref<64x128xf32, #tpu.memory_space<vmem>>, vector<64x128xf32>
    %reduce_sum3A = arith.constant dense<0.000000e+00> : vector<128xf32>
    %reduce_sum3A_2 = vector.multi_reduction <add>, %get3A_1, %reduce_sum3A [0] : vector<64x128xf32> to vector<128xf32>
    %get3A_3 = arith.constant 0 : index
    %get3A_4 = arith.constant 0 : index
    %get3A_5 = vector.load %arg1[%get3A_3, %get3A_4] : memref<32x10000xf32, #tpu.memory_space<vmem>>, vector<32x10000xf32>
    %reduce_sum3A_6 = arith.constant dense<0.000000e+00> : vector<10000xf32>
    %reduce_sum3A_7 = vector.multi_reduction <add>, %get3A_5, %reduce_sum3A_6 [0] : vector<32x10000xf32> to vector<10000xf32>
    %mul3A = arith.constant 5.000000e-01 : f32
    %mul3A_8 = vector.broadcast %mul3A : f32 to vector<10000xf32>
    %mul3A_9 = arith.mulf %mul3A_8, %reduce_sum3A_7 : vector<10000xf32>
    %get3A_10 = arith.constant 0 : index
    %get3A_11 = arith.constant 0 : index
    %get3A_12 = arith.constant 0 : index
    %get3A_13 = vector.load %arg0[%get3A_10, %get3A_11, %get3A_12] : memref<2x10000x64xf32, #tpu.memory_space<vmem>>, vector<1x10000x64xf32>
    %get3A_14 = vector.shape_cast %get3A_13 : vector<1x10000x64xf32> to vector<10000x64xf32>
    %tanh3A = math.tanh %get3A_14 : vector<10000x64xf32>
    %get3A_15 = arith.constant 1 : index
    %get3A_16 = arith.constant 0 : index
    %get3A_17 = arith.constant 0 : index
    %get3A_18 = vector.load %arg0[%get3A_15, %get3A_16, %get3A_17] : memref<2x10000x64xf32, #tpu.memory_space<vmem>>, vector<1x10000x64xf32>
    %get3A_19 = vector.shape_cast %get3A_18 : vector<1x10000x64xf32> to vector<10000x64xf32>
    %tanh3A_20 = math.tanh %get3A_19 : vector<10000x64xf32>
    %slice3A = vector.extract_strided_slice %reduce_sum3A_2 {offsets = [0], sizes = [64], strides = [1]} : vector<128xf32> to vector<64xf32>
    %broadcast_in_dim3A = vector.shape_cast %slice3A : vector<64xf32> to vector<1x64xf32>
    %mul3A_21 = vector.broadcast %broadcast_in_dim3A : vector<1x64xf32> to vector<10000x64xf32>
    %mul3A_22 = arith.mulf %tanh3A, %mul3A_21 : vector<10000x64xf32>
    %reduce_sum3A_23 = arith.constant dense<0.000000e+00> : vector<10000xf32>
    %reduce_sum3A_24 = vector.multi_reduction <add>, %mul3A_22, %reduce_sum3A_23 [1] : vector<10000x64xf32> to vector<10000xf32>
    %slice3A_25 = vector.extract_strided_slice %reduce_sum3A_2 {offsets = [64], sizes = [64], strides = [1]} : vector<128xf32> to vector<64xf32>
    %broadcast_in_dim3A_26 = vector.shape_cast %slice3A_25 : vector<64xf32> to vector<1x64xf32>
    %mul3A_27 = vector.broadcast %broadcast_in_dim3A_26 : vector<1x64xf32> to vector<10000x64xf32>
    %mul3A_28 = arith.mulf %tanh3A_20, %mul3A_27 : vector<10000x64xf32>
    %reduce_sum3A_29 = arith.constant dense<0.000000e+00> : vector<10000xf32>
    %reduce_sum3A_30 = vector.multi_reduction <add>, %mul3A_28, %reduce_sum3A_29 [1] : vector<10000x64xf32> to vector<10000xf32>
    %add3A = arith.addf %reduce_sum3A_24, %reduce_sum3A_30 : vector<10000xf32>
    %mul3A_31 = arith.mulf %add3A, %mul3A_9 : vector<10000xf32>
    %reduce_sum3A_32 = vector.shape_cast %mul3A_31 : vector<10000xf32> to vector<1x10000xf32>
    %reduce_sum3A_33 = arith.constant dense<0.000000e+00> : vector<1xf32>
    %reduce_sum3A_34 = vector.multi_reduction <add>, %reduce_sum3A_32, %reduce_sum3A_33 [1] : vector<1x10000xf32> to vector<1xf32>
    %reduce_sum3A_35 = vector.shape_cast %reduce_sum3A_34 : vector<1xf32> to vector<1x1xf32>
    %reduce_sum3A_36 = vector.extract %reduce_sum3A_35[0, 0] : f32 from vector<1x1xf32>
    %get3A_37 = arith.constant 0 : index
    %get3A_38 = vector.load %arg3[%get3A_37] : memref<64xf32, #tpu.memory_space<vmem>>, vector<64xf32>
    %reduce_sum3A_39 = vector.shape_cast %get3A_38 : vector<64xf32> to vector<1x64xf32>
    %reduce_sum3A_40 = arith.constant dense<0.000000e+00> : vector<1xf32>
    %reduce_sum3A_41 = vector.multi_reduction <add>, %reduce_sum3A_39, %reduce_sum3A_40 [1] : vector<1x64xf32> to vector<1xf32>
    %reduce_sum3A_42 = vector.shape_cast %reduce_sum3A_41 : vector<1xf32> to vector<1x1xf32>
    %reduce_sum3A_43 = vector.extract %reduce_sum3A_42[0, 0] : f32 from vector<1x1xf32>
    %mul3A_44 = arith.constant 3.200000e+05 : f32
    %mul3A_45 = arith.mulf %mul3A_44, %reduce_sum3A_43 : f32
    %add3A_46 = arith.addf %reduce_sum3A_36, %mul3A_45 : f32
    %broadcast_in_dim3A_47 = vector.broadcast %add3A_46 : f32 to vector<1x1xf32>
    %swap3A = arith.constant 0 : index
    %swap3A_48 = arith.constant 0 : index
    %swap3A_49 = vector.load %arg4[%swap3A, %swap3A_48] : memref<1x1xf32, #tpu.memory_space<vmem>>, vector<1x1xf32>
    tpu.vector_store %arg4[%swap3A, %swap3A_48], %broadcast_in_dim3A_47 {strides = array<i32>} : memref<1x1xf32, #tpu.memory_space<vmem>>, vector<1x1xf32>,
    return
  }
}

</mosaic_0001>

<sc_bundles>
// kernel: kernel.5.cloned.1.call-start
scs
__scs_entry_jumppad:
0x0: {  	(pc) =	sbr.rel $0x88, $3  }
0x1: {  	(tag) =	ssettag $0x0;
	lr =	simm.s32 $0x1  }
0x2: {  	[smem:$0x3F9B] =	sst lr;
	_ =	strace $0xD0000000  }
0x3: {  	_ = 	snop  }
0x4: {  	_ = 	snop  }
0x5: {  	_ = 	snop  }
0x6: {  	_ = 	snop  }
0x7: {  	_ = 	snop  }
__scs_overlays_trampoline_lowered:
0x8: {  	[smem:$0x3FAA] =	sst s0  }
0x9: {  	[smem:$0x3FAB] =	sst s1  }
0xa: {  	[smem:$0x3FAC] =	sst s2  }
0xb: {  	[smem:$0x3FAD] =	sst s3  }
0xc: {  	[smem:$0x3FAE] =	sst s4  }
0xd: {  	[smem:$0x3FAF] =	sst s5  }
0xe: {  	[smem:$0x3FB0] =	sst s6  }
0xf: {  	[smem:$0x3FB1] =	sst s7  }
0x10: {  	[smem:$0x3FB2] =	sst s8  }
0x11: {  	[smem:$0x3FB3] =	sst s9;
	s0 =	simm.s32 @!p0 $0x0  }
0x12: {  	s1 =	sld [smem:$0x3F99];
	s0 =	simm.s32 @p0 $0x1  }
0x13: {  	[smem:$0x3FB4] =	sst s0;
	s0 =	simm.s32 @!p1 $0x0  }
0x14: {  	s2 =	sld [smem:$0x3F98];
	s0 =	simm.s32 @p1 $0x1  }
0x15: {  	[smem:$0x3FB5] =	sst s0;
	s0 =	simm.s32 @!p2 $0x0  }
0x16: {  	s3 =	sld [smem:$0x3FDB];
	s0 =	simm.s32 @p2 $0x1  }
0x17: {  	s4 =	simm.s32 $0x1BF5;
	[smem:$0x3FB7] =	sst s0  }
0x18: {  	s0 =	sld [smem:$0x3F9A];
	_ =	swait.ge [sflag:s4], $0x0  }
0x19: {  	s7 =	sld [smem:$0x3F9B]  }
0x1a: {  	s8 =	sadd.s32 $0xFFFFE003, lr  }
0x1b: {  	s9 =	sadd.s32 $0xFFFFFEF7, lr;
	s5 =	simm.s32 $0xFFFFFFFF;
	p2 =	slt.u32 s8, $0xFFFFF086  }
0x1c: {  	p1 =	slt.u32 s9, $0xF7A;
	s5 =	simm.s32 @!p2 $0x0  }
0x1d: {  	s5 =	simm.s32 @p1 $0x1;
	p0 =	seq.s32 s7, s2  }
0x1e: {  	s7 =	smul.u32 @!p0 $0xF7A, s2;
	p2 =	seq.s32 @!p0 s5, $0x0  }
0x1f: {  	s9 =	smul.u32 $0xF7A, s1;
	s8 =	simm.s32 @!p0 $0x1BF5;
	p2 =	por !p2, p0  }
0x20: {  	[sflag:s8] =	ssyncset.s32 @!p0 $0xFFFFF086;
	s6 =	sadd.s32 @!p0 s3, s7;
	s7 =	simm.s32 @!p0 $0x108  }
0x21: {  	s3 =	sadd.s32 s3, s9;
	s6 =	sadd.s32 @!p0 $0x88, s6;
	s7 =	simm.s32 @p2 $0x1082  }
0x22: {  	[simem:s7], [sflag:s8] =	dma.local @!p0 [hbm:s6], $0xF7A  }
0x23: {  	s9 =	sor.u32 $0xD0000000, s2;
	s6 =	simm.s32 $0x108;
	_ =	swait.ge @!p0 [sflag:s8], $0x0  }
0x24: {  	s3 =	sadd.s32 $0x88, s3;
	s6 =	simm.s32 @!p1 $0x1082;
	[sflag:s4] =	ssyncset.s32 $0xFFFFF086  }
0x25: {  	[simem:s6], [sflag:s4] =	dma.local [hbm:s3], $0xF7A  }
0x26: {  	[smem:$0x3F9B] =	sst s1;
	(tag) =	ssettag s2;
	_ =	strace s9  }
0x27: {  	s1 =	sld [smem:$0x3FAB]  }
0x28: {  	s2 =	sld [smem:$0x3FAC]  }
0x29: {  	s4 =	sld [smem:$0x3FAE]  }
0x2a: {  	p0 =	seq.s32 s5, $0x0;
	s5 =	sld [smem:$0x3FAF]  }
0x2b: {  	s6 =	sld [smem:$0x3FB0]  }
0x2c: {  	s7 =	sld [smem:$0x3FB1]  }
0x2d: {  	s3 =	simm.s32 $0x108;
	s8 =	sld [smem:$0x3FB2]  }
0x2e: {  	s3 =	simm.s32 @!p0 $0x1082;
	s9 =	sld [smem:$0x3FB3]  }
0x2f: {  	lr =	sadd.s32 s0, s3;
	s0 =	sld [smem:$0x3FAA]  }
0x30: {  	s3 =	sld [smem:$0x3FAD]  }
0x31: {  	[smem:$0x3FB6] =	sst s10  }
0x32: {  	s10 =	sld [smem:$0x3FB4];
	_ =	sdelay $0x3  }
0x33: {  	p0 =	seq.s32 s10, $0x1;
	s10 =	sld [smem:$0x3FB6];
	_ =	sdelay $0x3  }
0x34: {  	[smem:$0x3FB6] =	sst s10  }
0x35: {  	s10 =	sld [smem:$0x3FB5];
	_ =	sdelay $0x3  }
0x36: {  	p1 =	seq.s32 s10, $0x1;
	s10 =	sld [smem:$0x3FB6];
	_ =	sdelay $0x3  }
0x37: {  	[smem:$0x3FB6] =	sst s10  }
0x38: {  	s10 =	sld [smem:$0x3FB7]  }
0x39: {  	_ = 	snop;
	(pc) =	sbr.ind lr, $3  }
0x3a: {  	_ = 	snop  }
0x3b: {  	_ = 	snop  }
0x3c: {  	p2 =	seq.s32 s10, $0x1;
	s10 =	sld [smem:$0x3FB6]  }
0x3d: {  	_ =	shalt  }
0x3e: {  	_ =	shalt  }
0x3f: {  	_ =	shalt  }
0x40: {  	_ =	shalt  }
0x41: {  	_ =	shalt  }
0x42: {  	_ =	shalt  }
0x43: {  	_ =	shalt  }
0x44: {  	_ =	shalt  }
0x45: {  	_ =	shalt  }
0x46: {  	_ =	shalt  }
0x47: {  	_ =	shalt  }
0x48: {  	_ =	shalt  }
0x49: {  	_ =	shalt  }
0x4a: {  	_ =	shalt  }
0x4b: {  	_ =	shalt  }
0x4c: {  	_ =	shalt  }
0x4d: {  	_ =	shalt  }
0x4e: {  	_ =	shalt  }
0x4f: {  	_ =	shalt  }
0x50: {  	_ =	shalt  }
0x51: {  	_ =	shalt  }
0x52: {  	_ =	shalt  }
0x53: {  	_ =	shalt  }
0x54: {  	_ =	shalt  }
0x55: {  	_ =	shalt  }
0x56: {  	_ =	shalt  }
0x57: {  	_ =	shalt  }
0x58: {  	_ =	shalt  }
0x59: {  	_ =	shalt  }
0x5a: {  	_ =	shalt  }
0x5b: {  	_ =	shalt  }
0x5c: {  	_ =	shalt  }
0x5d: {  	_ =	shalt  }
0x5e: {  	_ =	shalt  }
0x5f: {  	_ =	shalt  }
0x60: {  	_ =	shalt  }
0x61: {  	_ =	shalt  }
0x62: {  	_ =	shalt  }
0x63: {  	_ =	shalt  }
0x64: {  	_ =	shalt  }
0x65: {  	_ =	shalt  }
0x66: {  	_ =	shalt  }
0x67: {  	_ =	shalt  }
0x68: {  	_ =	shalt  }
0x69: {  	_ =	shalt  }
0x6a: {  	_ =	shalt  }
0x6b: {  	_ =	shalt  }
0x6c: {  	_ =	shalt  }
0x6d: {  	_ =	shalt  }
0x6e: {  	_ =	shalt  }
0x6f: {  	_ =	shalt  }
0x70: {  	_ =	shalt  }
0x71: {  	_ =	shalt  }
0x72: {  	_ =	shalt  }
0x73: {  	_ =	shalt  }
0x74: {  	_ =	shalt  }
0x75: {  	_ =	shalt  }
0x76: {  	_ =	shalt  }
0x77: {  	_ =	shalt  }
0x78: {  	_ =	shalt  }
0x79: {  	_ =	shalt  }
0x7a: {  	_ =	shalt  }
0x7b: {  	_ =	shalt  }
0x7c: {  	_ =	shalt  }
0x7d: {  	_ =	shalt  }
0x7e: {  	_ =	shalt  }
0x7f: {  	_ =	shalt  }
0x80: {  	_ =	shalt  }
0x81: {  	_ =	shalt  }
0x82: {  	_ =	shalt  }
0x83: {  	_ =	shalt  }
0x84: {  	_ =	shalt  }
0x85: {  	_ =	shalt  }
0x86: {  	_ =	shalt  }
0x87: {  	_ =	shalt  }
.Lfunc_end0:
.L_simem_size_0:
called_computation_lowered:
.L_overlay_start_0:
0x88: {  	s2 =	sld [smem:$0x3FD9]  }
0x89: {  	s3 =	sld [smem:$0x3FFE];
	_ =	sdelay $0x1  }
0x8a: {  	s1 =	srdreg.scid  }
0x8b: {  	s0 =	sand.u32 $0x1, s1  }
0x8c: {  	s16 =	sshll.u32 s0, $0xA;
	s2 =	sadd.s32 s3, s2  }
0x8d: {  	s2 =	sadd.s32 s2, s16  }
0x8e: {  	[smem:$0x3FC2] =	sst s2  }
0x8f: {  	_ = 	snop  }
0x90: {  	(tm) =	ssettm $0x1  }
0x91: {  	s17 =	sld [smem:$0x3FFB];
	_ =	sdelay $0x3  }
0x92: {  	_ =	strace s17  }
0x93: {  	s2 =	sld [smem:$0x3FFC];
	_ =	sdelay $0x3  }
0x94: {  	_ =	strace s2  }
0x95: {  	s2 =	sld [smem:$0x3FFD];
	_ =	sdelay $0x3  }
0x96: {  	_ =	strace s2  }
0x97: {  	_ =	strace $0x8FFFFFFF  }
0x98: {  	s18 =	sld [smem:$0x3FDB];
	_ =	sdelay $0x1  }
0x99: {  	s19 =	simm.s32 $_scs_section_size  }
0x9a: {  	s4 =	simm.s32 $_size__tile_overlayer_lowered;
	s5 =	simm.s32 $_tile_overlayer_lowered  }
0x9b: {  	s22 =	simm.s32 $0x1BFF;
	s21 =	sshll.u32 s5, $0x1;
	s2 =	sadd.s32 s19, s18  }
0x9c: {  	s6 =	simm.s32 $0x0;
	s20 =	sshll.u32 s4, $0x1;
	s4 =	sadd.s32 s21, s2  }
0x9d: {  	[timem:s6], [sflag:s22] =	dma.local [hbm:s4], s20  }
0x9e: {  	_ =	swait.ge [sflag:s22], s20  }
0x9f: {  	s3 =	ssub.s32 $0x0, s20;
	[sflag:s22] =	ssyncset.done $0x0  }
0xa0: {  	[sflag:s22] =	ssyncadd.s32 s3;
	_ =	sdelay $0x1  }
0xa1: {  	s23 =	simm.s32 $0x1B8B  }
0xa2: {  	_ =	swait.ge [sflag:s23], $0x1  }
0xa3: {  	[sflag:s23] =	ssyncset.done $0x0  }
0xa4: {  	s25 =	simm.s32 $0x1B8E;
	s24 =	sld [smem:$0x3FFE];
	[sflag:s23] =	ssyncadd.s32 $0xFFFFFFFF  }
0xa5: {  	s26 =	simm.s32 $execute0_lowered;
	[smem:$0x3FD2] =	sst s25  }
0xa6: {  	s4 =	sshll.u32 s26, $0x1;
	_ =	strace $0x80000046;
	[dreg:$0x1] =	wrdreg $0xFFFFFFFF  }
0xa7: {  	s28 =	simm.s32 $_size_execute0_lowered;
	s2 =	sadd.s32 s2, s4;
	[dreg:$0x0] =	wrdreg $0x0  }
0xa8: {  	s4 =	sshll.u32 s28, $0x1;
	[dreg:$0x2] =	wrdreg s2  }
0xa9: {  	[dreg:$0x3] =	wrdreg s4  }
0xaa: {  	[dreg:$0x4] =	wrdreg $0xC0  }
0xab: {  	_ =	task [dreg:s6], $0x5FFFF  }
0xac: {  	[dreg:$0x1] =	wrdreg $0xFFFFFFFF  }
0xad: {  	[dreg:$0x0] =	wrdreg $0x60  }
0xae: {  	[dreg:$0x2] =	wrdreg s24  }
0xaf: {  	[dreg:$0x3] =	wrdreg $0x159500  }
0xb0: {  	[dreg:$0x4] =	wrdreg $0x9  }
0xb1: {  	_ =	task.clear_ibuf [dreg:s6], $0x5FFFF;
	_ =	strace $0x90000046  }
0xb2: {  	s29 =	simm.s32 $0x9;
	_ =	strace $0x80000048  }
0xb3: {  	_ =	swait.ge [sflag:s29], $0x1  }
0xb4: {  	[sflag:s29] =	ssyncadd.s32 $0xFFFFFFFF  }
0xb5: {  	_ =	strace $0x90000048  }
0xb6: {  	_ =	sfence  }
0xb7: {  	s30 =	sld [smem:$0x0];
	_ =	sdelay $0x2  }
0xb8: {  	s31 =	sshll.u32 s1, $0xD;
	s1 =	sshrl.u32 s1, $0x2  }
0xb9: {  	s3 =	sand.u32 $0x4000, s31;
	s1 =	sadd.s32 s1, s30  }
0xba: {  	s0 =	sor.u32 s3, s0;
	s1 =	sshll.u32 s1, $0x11  }
0xbb: {  	s0 =	sor.u32 s1, s0  }
0xbc: {  	s0 =	sadd.s32 $0x8F2B, s0  }
0xbd: {  	[sflag:s0] =	ssyncadd.remote.s32 $0x1  }
0xbe: {  	_ =	sfence.sel $0xFFFF  }
0xbf: {  	[dreg:$0x0] =	wrdreg $0xFFFFFFFF;
	(pc) =	sbr.abs _section_cstart, $3  }
0xc0: {  	[dreg:$0x1] =	wrdreg $0xFFFFFFFF  }
0xc1: {  	_ =	task.clear_ibuf [dreg:s6], $0x2FFFF;
	_ =	strace $0x9FFFFFFF  }
0xc2: {  	(tm) =	ssettm $0x7FFFFFFF  }
0xc3: {  	_ =	shalt  }
tec
execute0_lowered:
.L_overlay_start_1:
0x0: {  	(tag) =	ssettag $0x1  }
0x1: {  	s0 =	rddreg [dreg:$0x0]  }
0x2: {  	s1 =	rddreg [dreg:$0x1];
	s13 =	stileid.u32  }
0x3: {  	s3 =	srdreg.scid;
	s7 =	smul.u32 $0x9C4, s13  }
0x4: {  	s2 =	simm.s32 $0x0;
	s28 =	simm.s32 $0x50;
	s25 =	smul.u32 $0xC800, s13  }
0x5: {  	s30 =	simm.s32 $0x1400;
	s3 =	sand.u32 $0x1, s3;
	s18 =	smul.u32 $0x3200, s13  }
0x6: {  	s29 =	simm.s32 $0x5000;
	s26 =	sor.u32 $0x10, s13;
	s4 =	smul.u32 $0x9C400, s3  }
0x7: {  	s31 =	simm.s32 $0x13240;
	s10 =	sor.u32 $0x20, s13;
	s12 =	smul.u32 $0xC800, s26  }
0x8: {  	[smem:$0x7FF] =	sst s2;
	s8 =	sadd.s32 $0x3BC00, s0;
	s14 =	smul.u32 $0xC800, s10  }
0x9: {  	s11 =	sor.u32 $0x30, s13;
	_ =	strace $0x80000047;
	s20 =	smul.u32 $0x3200, s26  }
0xa: {  	s5 =	sshll.u32 s3, $0x4;
	s3 =	ssub.s32 $0x2, s3;
	s22 =	smul.u32 $0x3200, s10  }
0xb: {  	p0 =	sgt.u32 s11, $0x31;
	s5 =	sor.u32 s13, s5;
	s7 =	sadd.s32 s7, s0  }
0xc: {  	s9 =	sshrl.u32 s3, $0x1;
	s13 =	sadd.s32 s18, s1;
	s6 =	sshrl.u32 s4, $0x3  }
0xd: {  	s5 =	smul.u32 $0x4E2, s5;
	s3 =	ssub.s32 s3, s9;
	s23 =	sadd.s32 $0x31E00, s7  }
0xe: {  	s24 =	sadd.s32 $0x28000, s7;
	s9 =	sshrl.u32 s12, $0x2;
	s12 =	smul.u32 $0xC800, s11  }
0xf: {  	s21 =	sadd.s32 s4, s18;
	s7 =	sadd.s32 s4, s20;
	[dreg:$0x3] =	wrdreg s23  }
0x10: {  	s6 =	sadd.s32 s6, s0;
	[dreg:$0x4] =	wrdreg s24;
	s3 =	smax.u32 s3, $0x1  }
0x11: {  	s16 =	sadd.s32 s9, s1;
	s23 =	smul.u32 $0x3200, s11;
	s24 =	sshrl.u32 s7, $0x3  }
0x12: {  	s7 =	simm.s32 $0x7;
	s0 =	sadd.s32 s5, s0;
	[dreg:$0x6] =	wrdreg s3  }
0x13: {  	s6 =	sadd.s32 $0xE00, s6;
	s5 =	sshrl.u32 s25, $0x2;
	[dreg:$0x8] =	wrdreg s16  }
0x14: {  	s17 =	sshrl.u32 s12, $0x2;
	s3 =	sshrl.u32 s21, $0x3;
	s16 =	sadd.s32 s8, s24  }
0x15: {  	s25 =	sadd.s32 s4, s22;
	s21 =	simm.s32 $0x6400;
	s24 =	simm.s32 $0x2  }
0x16: {  	s0 =	sadd.s32 $0x62E00, s0;
	s15 =	sadd.s32 s5, s1;
	s19 =	sadd.s32 s17, s1  }
0x17: {  	s26 =	sadd.s32 s4, s23;
	s17 =	sadd.s32 s22, s1;
	[dreg:$0x5] =	wrdreg s0  }
0x18: {  	s22 =	simm.s32 $0x3C00;
	s4 =	simm.s32 $0x4;
	[dreg:$0x7] =	wrdreg s15  }
0x19: {  	s5 =	simm.s32 $0x5;
	s0 =	sshrl.u32 s14, $0x2;
	[dreg:$0xa] =	wrdreg s19  }
0x1a: {  	s14 =	sadd.s32 s8, s3;
	s15 =	sadd.s32 s20, s1;
	s3 =	sshrl.u32 s26, $0x3  }
0x1b: {  	s19 =	sadd.s32 s23, s1;
	s23 =	simm.s32 $0x1;
	s26 =	simm.s32 $0x6  }
0x1c: {  	s0 =	sadd.s32 s0, s1;
	s20 =	sadd.s32 s8, s3;
	s3 =	simm.s32 $0x3  }
0x1d: {  	[dreg:$0x9] =	wrdreg s0;
	s0 =	sshrl.u32 s25, $0x3;
	s25 =	simm.s32 $0x10040  }
0x1e: {  	v0 =	vimm.f32 $0.0e+00;
	v1 =	vimm.f32 $1.000000000e+00;
	s18 =	sadd.s32 s8, s0;
	s0 =	simm.s32 $0x2800;
	s8 =	simm.s32 $0x0  }
.LBB2_1:
0x1f: {  	s9 =	rddreg [dreg:$0x3]  }
0x20: {  	[tilespmem:s21], [sflag:$0x1] =	stream.linear.gather [hbm4b:s9+s2], $0x4E20, $0x38;
	[tilespmem:$0x1F590] =	vst v63  }
0x21: {  	s12 =	rddreg [dreg:$0x4];
	s10 =	simm.s32 $0xB220  }
0x22: {  	[tilespmem:s10], [sflag:$0x2] =	stream.linear.gather [hbm4b:s12+s2], $0x4E20, $0x38;
	[tilespmem:$0x1F590] =	vst v63  }
0x23: {  	s9 =	simm.s32 $0x0;
	s10 =	simm.s32 $0x0  }
.LBB2_2:
0x24: {  	p1 =	sne.s32 s10, $0xC7C0  }
.Ltmp0:
0x25: {  	_ = 	snop;
	(pc) =	sbr.rel @p1 .LBB2_2-.Ltmp0, $4  }
0x26: {  	s11 =	sand.u32 $0xFF00, s10  }
0x27: {  	s12 =	sand.u32 $0x30, s9;
	s11 =	sshrl.u32 s11, $0x2  }
0x28: {  	s11 =	sor.u32 s12, s11  }
0x29: {  	s9 =	sadd.s32 $0x10, s9;
	s10 =	sadd.s32 $0x40, s10;
	[tilespmem:s11+$0x10040] =	vst v0  }
0x2a: {  	s9 =	simm.s32 $0x40;
	s10 =	simm.s32 $0x0  }
.LBB2_4:
0x2b: {  	p1 =	sne.s32 s9, $0x9C00;
	[tilespmem:s10+$0x13240] =	vst v0;
	s10 =	smov.u32 s9;
	s9 =	sadd.s32 $0x40, s9  }
.Ltmp1:
0x2c: {  	(pc) =	sbr.rel @p1 .LBB2_4-.Ltmp1, $2  }
0x2d: {  	_ =	sdelay $0x2  }
0x2e: {  	s10 =	sshra.s32 s10, $0x2  }
0x2f: {  	[tilespmem:s10+$0x13240] =	vst v0  }
0x30: {  	_ =	swait.ge [sflag:s23], $0x4E20  }
0x31: {  	[sflag:s23] =	ssyncset.done $0x0  }
0x32: {  	[sflag:s23] =	ssyncadd.s32 $0xFFFFB1E0  }
0x33: {  	_ =	swait.ge [sflag:s24], $0x4E20  }
0x34: {  	[sflag:s24] =	ssyncset.done $0x0  }
0x35: {  	s9 =	rddreg [dreg:$0x7];
	[sflag:s24] =	ssyncadd.s32 $0xFFFFB1E0  }
0x36: {  	[spmem:s9] =	stream.linear.scatter [tilespmem:s25], [sflag:$0x6], $0x3200, $0x38;
	[tilespmem:$0x1F590] =	vst v63  }
0x37: {  	_ =	swait.ge [sflag:s26], $0x3200  }
0x38: {  	[sflag:s26] =	ssyncset.done $0x0  }
0x39: {  	s10 =	rddreg [dreg:$0x8];
	[sflag:s26] =	ssyncadd.s32 $0xFFFFCE00  }
0x3a: {  	[spmem:s10] =	stream.linear.scatter [tilespmem:s25], [sflag:$0x6], $0x3200, $0x38;
	[tilespmem:$0x1F590] =	vst v63  }
0x3b: {  	_ =	swait.ge [sflag:s26], $0x3200  }
0x3c: {  	[sflag:s26] =	ssyncset.done $0x0  }
0x3d: {  	s11 =	rddreg [dreg:$0x9];
	[sflag:s26] =	ssyncadd.s32 $0xFFFFCE00  }
0x3e: {  	[spmem:s11] =	stream.linear.scatter [tilespmem:s25], [sflag:$0x6], $0x3200, $0x38;
	[tilespmem:$0x1F590] =	vst v63  }
0x3f: {  	_ =	swait.ge [sflag:s26], $0x3200  }
0x40: {  	[sflag:s26] =	ssyncset.done $0x0  }
0x41: {  	s9 =	simm.s32 @!p0 $0x10040;
	s10 =	rddreg [dreg:$0xa];
	[sflag:s26] =	ssyncadd.s32 $0xFFFFCE00  }
0x42: {  	[spmem:s10] =	stream.linear.scatter @!p0 [tilespmem:s9], [sflag:$0x6], $0x3200, $0x38;
	[tilespmem:$0x1F590] =	vst v63  }
0x43: {  	s9 =	simm.s32 @!p0 $0x6  }
0x44: {  	_ =	swait.ge @!p0 [sflag:s9], $0x3200  }
0x45: {  	[sflag:s9] =	ssyncset.done @!p0 $0x0  }
0x46: {  	[sflag:s9] =	ssyncadd.s32 @!p0 $0xFFFFCE00  }
0x47: {  	s9 =	simm.s32 $0x0;
	[bflag:$0x0] =	sbarrier.arrive $0xFFFF  }
0x48: {  	[tilespmem:s9], [sflag:$0x1] =	stream.indirect.gather [hbm4b:s6+s28], $0x40, s21, s28, $0xb8;
	[tilespmem:$0x1F590] =	vst v63  }
0x49: {  	s12 =	simm.s32 $0x6450  }
0x4a: {  	[tilespmem:s30], [sflag:$0x2] =	stream.indirect.gather [hbm4b:s6+s28], $0x40, s12, s28, $0xb8;
	[tilespmem:$0x1F590] =	vst v63  }
0x4b: {  	s11 =	simm.s32 $0x64A0  }
0x4c: {  	[tilespmem:s0], [sflag:$0x3] =	stream.indirect.gather [hbm4b:s6+s28], $0x40, s11, s28, $0xb8;
	[tilespmem:$0x1F590] =	vst v63  }
0x4d: {  	s10 =	simm.s32 $0x280;
	s12 =	simm.s32 $0x64F0  }
0x4e: {  	[tilespmem:s22], [sflag:$0x4] =	stream.indirect.gather [hbm4b:s6+s28], $0x40, s12, s28, $0xb8;
	[tilespmem:$0x1F590] =	vst v63  }
.LBB2_6:
0x4f: {  	_ =	swait.ge [sflag:s23], $0x1400  }
0x50: {  	s11 =	sshra.s32 s9, $0x2;
	[sflag:s23] =	ssyncset.done $0x0  }
0x51: {  	s12 =	sadd.s32 $0x6540, s11;
	[sflag:s23] =	ssyncadd.s32 $0xFFFFEC00  }
0x52: {  	[tilespmem:s29], [sflag:$0x5] =	stream.indirect.gather [hbm4b:s6+s28], $0x40, s12, s28, $0xb8;
	[tilespmem:$0x1F590] =	vst v63  }
0x53: {  	v2 =	vld [tilespmem:s11+$0x6400];
	_ =	sdelay $0x7  }
0x54: {  	[tilespmem:v2+s31+$0x0] =	vst.idx.add.f32.msk $0xffff, v1  }
0x55: {  	v2 =	vld [tilespmem:s11+$0x6410];
	_ =	sdelay $0x7  }
0x56: {  	[tilespmem:v2+s31+$0x0] =	vst.idx.add.f32.msk $0xffff, v1  }
0x57: {  	v2 =	vld [tilespmem:s11+$0x6420];
	_ =	sdelay $0x7  }
0x58: {  	[tilespmem:v2+s31+$0x0] =	vst.idx.add.f32.msk $0xffff, v1  }
0x59: {  	v2 =	vld [tilespmem:s11+$0x6430];
	_ =	sdelay $0x7  }
0x5a: {  	[tilespmem:v2+s31+$0x0] =	vst.idx.add.f32.msk $0xffff, v1  }
0x5b: {  	v2 =	vld [tilespmem:s11+$0x6440];
	_ =	sdelay $0x7  }
0x5c: {  	s12 =	sadd.s32 $0xB220, s11;
	[tilespmem:v2+s31+$0x0] =	vst.idx.add.f32.msk $0xffff, v1  }
0x5d: {  	[spmem:s1] =	stream.indirect.scatter.add.f32 [tilespmem:s2], [sflag:$0x6], $0x40, s12, s28, $0xb8;
	[tilespmem:$0x1F590] =	vst v63  }
0x5e: {  	_ =	swait.ge [sflag:s26], $0x1400  }
0x5f: {  	[sflag:s26] =	ssyncset.done $0x0  }
0x60: {  	[sflag:s26] =	ssyncadd.s32 $0xFFFFEC00  }
0x61: {  	p1 =	seq.s32 s9, $0x13240;
	s12 =	sadd.s32 $0xFFFFFF10, s10;
	_ =	swait.ge [sflag:s24], $0x1400  }
0x62: {  	s12 =	simm.s32 @p1 $0x0;
	[sflag:s24] =	ssyncset.done $0x0  }
0x63: {  	s12 =	sadd.s32 $0x6400, s12;
	[sflag:s24] =	ssyncadd.s32 $0xFFFFEC00  }
0x64: {  	[tilespmem:s2], [sflag:$0x1] =	stream.indirect.gather [hbm4b:s6+s28], $0x40, s12, s28, $0xb8;
	[tilespmem:$0x1F590] =	vst v63  }
0x65: {  	v2 =	vld [tilespmem:s11+$0x6450];
	_ =	sdelay $0x7  }
0x66: {  	[tilespmem:v2+s31+$0x0] =	vst.idx.add.f32.msk $0xffff, v1  }
0x67: {  	v2 =	vld [tilespmem:s11+$0x6460];
	_ =	sdelay $0x7  }
0x68: {  	[tilespmem:v2+s31+$0x0] =	vst.idx.add.f32.msk $0xffff, v1  }
0x69: {  	v2 =	vld [tilespmem:s11+$0x6470];
	_ =	sdelay $0x7  }
0x6a: {  	[tilespmem:v2+s31+$0x0] =	vst.idx.add.f32.msk $0xffff, v1  }
0x6b: {  	v2 =	vld [tilespmem:s11+$0x6480];
	_ =	sdelay $0x7  }
0x6c: {  	[tilespmem:v2+s31+$0x0] =	vst.idx.add.f32.msk $0xffff, v1  }
0x6d: {  	v2 =	vld [tilespmem:s11+$0x6490];
	_ =	sdelay $0x7  }
0x6e: {  	s12 =	sadd.s32 $0xB270, s11;
	[tilespmem:v2+s31+$0x0] =	vst.idx.add.f32.msk $0xffff, v1  }
0x6f: {  	[spmem:s1] =	stream.indirect.scatter.add.f32 [tilespmem:s30], [sflag:$0x6], $0x40, s12, s28, $0xb8;
	[tilespmem:$0x1F590] =	vst v63  }
0x70: {  	_ =	swait.ge [sflag:s26], $0x1400  }
0x71: {  	[sflag:s26] =	ssyncset.done $0x0  }
0x72: {  	[sflag:s26] =	ssyncadd.s32 $0xFFFFEC00  }
0x73: {  	s12 =	sadd.s32 $0xFFFFFF60, s10;
	_ =	swait.ge [sflag:s3], $0x1400  }
0x74: {  	s12 =	simm.s32 @p1 $0x0;
	[sflag:s3] =	ssyncset.done $0x0  }
0x75: {  	s12 =	sadd.s32 $0x6400, s12;
	[sflag:s3] =	ssyncadd.s32 $0xFFFFEC00  }
0x76: {  	[tilespmem:s30], [sflag:$0x2] =	stream.indirect.gather [hbm4b:s6+s28], $0x40, s12, s28, $0xb8;
	[tilespmem:$0x1F590] =	vst v63  }
0x77: {  	v2 =	vld [tilespmem:s11+$0x64A0];
	_ =	sdelay $0x7  }
0x78: {  	[tilespmem:v2+s31+$0x0] =	vst.idx.add.f32.msk $0xffff, v1  }
0x79: {  	v2 =	vld [tilespmem:s11+$0x64B0];
	_ =	sdelay $0x7  }
0x7a: {  	[tilespmem:v2+s31+$0x0] =	vst.idx.add.f32.msk $0xffff, v1  }
0x7b: {  	v2 =	vld [tilespmem:s11+$0x64C0];
	_ =	sdelay $0x7  }
0x7c: {  	[tilespmem:v2+s31+$0x0] =	vst.idx.add.f32.msk $0xffff, v1  }
0x7d: {  	v2 =	vld [tilespmem:s11+$0x64D0];
	_ =	sdelay $0x7  }
0x7e: {  	[tilespmem:v2+s31+$0x0] =	vst.idx.add.f32.msk $0xffff, v1  }
0x7f: {  	v2 =	vld [tilespmem:s11+$0x64E0];
	_ =	sdelay $0x7  }
0x80: {  	s12 =	sadd.s32 $0xB2C0, s11;
	[tilespmem:v2+s31+$0x0] =	vst.idx.add.f32.msk $0xffff, v1  }
0x81: {  	[spmem:s1] =	stream.indirect.scatter.add.f32 [tilespmem:s0], [sflag:$0x6], $0x40, s12, s28, $0xb8;
	[tilespmem:$0x1F590] =	vst v63  }
0x82: {  	_ =	swait.ge [sflag:s26], $0x1400  }
0x83: {  	[sflag:s26] =	ssyncset.done $0x0  }
0x84: {  	[sflag:s26] =	ssyncadd.s32 $0xFFFFEC00  }
0x85: {  	s12 =	sadd.s32 $0xFFFFFFB0, s10;
	_ =	swait.ge [sflag:s4], $0x1400  }
0x86: {  	s12 =	simm.s32 @p1 $0x0;
	[sflag:s4] =	ssyncset.done $0x0  }
0x87: {  	s12 =	sadd.s32 $0x6400, s12;
	[sflag:s4] =	ssyncadd.s32 $0xFFFFEC00  }
0x88: {  	[tilespmem:s0], [sflag:$0x3] =	stream.indirect.gather [hbm4b:s6+s28], $0x40, s12, s28, $0xb8;
	[tilespmem:$0x1F590] =	vst v63  }
0x89: {  	v2 =	vld [tilespmem:s11+$0x64F0];
	_ =	sdelay $0x7  }
0x8a: {  	[tilespmem:v2+s31+$0x0] =	vst.idx.add.f32.msk $0xffff, v1  }
0x8b: {  	v2 =	vld [tilespmem:s11+$0x6500];
	_ =	sdelay $0x7  }
0x8c: {  	[tilespmem:v2+s31+$0x0] =	vst.idx.add.f32.msk $0xffff, v1  }
0x8d: {  	v2 =	vld [tilespmem:s11+$0x6510];
	_ =	sdelay $0x7  }
0x8e: {  	[tilespmem:v2+s31+$0x0] =	vst.idx.add.f32.msk $0xffff, v1  }
0x8f: {  	v2 =	vld [tilespmem:s11+$0x6520];
	_ =	sdelay $0x7  }
0x90: {  	[tilespmem:v2+s31+$0x0] =	vst.idx.add.f32.msk $0xffff, v1  }
0x91: {  	v2 =	vld [tilespmem:s11+$0x6530];
	_ =	sdelay $0x7  }
0x92: {  	s12 =	sadd.s32 $0xB310, s11;
	[tilespmem:v2+s31+$0x0] =	vst.idx.add.f32.msk $0xffff, v1  }
0x93: {  	[spmem:s1] =	stream.indirect.scatter.add.f32 [tilespmem:s22], [sflag:$0x6], $0x40, s12, s28, $0xb8;
	[tilespmem:$0x1F590] =	vst v63  }
0x94: {  	_ =	swait.ge [sflag:s26], $0x1400  }
0x95: {  	[sflag:s26] =	ssyncset.done $0x0  }
0x96: {  	[sflag:s26] =	ssyncadd.s32 $0xFFFFEC00  }
0x97: {  	s12 =	smov.u32 s10;
	_ =	swait.ge [sflag:s5], $0x1400  }
0x98: {  	s12 =	simm.s32 @p1 $0x0;
	[sflag:s5] =	ssyncset.done $0x0  }
0x99: {  	s12 =	sadd.s32 $0x6400, s12;
	[sflag:s5] =	ssyncadd.s32 $0xFFFFEC00  }
0x9a: {  	[tilespmem:s22], [sflag:$0x4] =	stream.indirect.gather [hbm4b:s6+s28], $0x40, s12, s28, $0xb8;
	[tilespmem:$0x1F590] =	vst v63  }
0x9b: {  	v2 =	vld [tilespmem:s11+$0x6540];
	_ =	sdelay $0x7  }
0x9c: {  	[tilespmem:v2+s31+$0x0] =	vst.idx.add.f32.msk $0xffff, v1  }
0x9d: {  	v2 =	vld [tilespmem:s11+$0x6550];
	_ =	sdelay $0x7  }
0x9e: {  	[tilespmem:v2+s31+$0x0] =	vst.idx.add.f32.msk $0xffff, v1  }
0x9f: {  	v2 =	vld [tilespmem:s11+$0x6560];
	_ =	sdelay $0x7  }
0xa0: {  	[tilespmem:v2+s31+$0x0] =	vst.idx.add.f32.msk $0xffff, v1  }
0xa1: {  	v2 =	vld [tilespmem:s11+$0x6570];
	_ =	sdelay $0x7  }
0xa2: {  	[tilespmem:v2+s31+$0x0] =	vst.idx.add.f32.msk $0xffff, v1  }
0xa3: {  	v2 =	vld [tilespmem:s11+$0x6580];
	_ =	sdelay $0x6  }
0xa4: {  	p1 =	sne.s32 s9, $0x13240  }
.Ltmp2:
0xa5: {  	s11 =	sadd.s32 $0xB360, s11;
	[tilespmem:v2+s31+$0x0] =	vst.idx.add.f32.msk $0xffff, v1;
	(pc) =	sbr.rel @p1 .LBB2_6-.Ltmp2, $4  }
0xa6: {  	[spmem:s1] =	stream.indirect.scatter.add.f32 [tilespmem:s29], [sflag:$0x6], $0x40, s11, s28, $0xb8;
	[tilespmem:$0x1F590] =	vst v63  }
0xa7: {  	_ =	swait.ge [sflag:s26], $0x1400  }
0xa8: {  	[sflag:s26] =	ssyncset.done $0x0  }
0xa9: {  	s10 =	sadd.s32 $0x190, s10;
	s9 =	sadd.s32 $0x640, s9;
	[sflag:s26] =	ssyncadd.s32 $0xFFFFEC00  }
0xaa: {  	_ =	swait.ge [sflag:s23], $0x1400  }
0xab: {  	[sflag:s23] =	ssyncset.done $0x0  }
0xac: {  	[sflag:s23] =	ssyncadd.s32 $0xFFFFEC00  }
0xad: {  	_ =	swait.ge [sflag:s24], $0x1400  }
0xae: {  	[sflag:s24] =	ssyncset.done $0x0  }
0xaf: {  	[sflag:s24] =	ssyncadd.s32 $0xFFFFEC00  }
0xb0: {  	_ =	swait.ge [sflag:s3], $0x1400  }
0xb1: {  	[sflag:s3] =	ssyncset.done $0x0  }
0xb2: {  	[sflag:s3] =	ssyncadd.s32 $0xFFFFEC00  }
0xb3: {  	_ =	swait.ge [sflag:s4], $0x1400  }
0xb4: {  	[sflag:s4] =	ssyncset.done $0x0  }
0xb5: {  	s9 =	rddreg [dreg:$0x5];
	[sflag:s4] =	ssyncadd.s32 $0xFFFFEC00  }
0xb6: {  	[hbm4b:s9+s2] =	stream.linear.scatter [tilespmem:s31], [sflag:$0x6], $0x2710, $0x38;
	[tilespmem:$0x1F590] =	vst v63  }
0xb7: {  	_ =	swait.ge [sflag:s26], $0x2710  }
0xb8: {  	[sflag:s26] =	ssyncset.done $0x0  }
0xb9: {  	[sflag:s26] =	ssyncadd.s32 $0xFFFFD8F0  }
0xba: {  	[bflag:$0x0] =	sbarrier.arrive $0xFFFF  }
0xbb: {  	[tilespmem:s25], [sflag:$0x7] =	stream.linear.gather [spmem:s13], $0x3200, $0x38;
	[tilespmem:$0x1F590] =	vst v63  }
0xbc: {  	_ =	swait.ge [sflag:s7], $0x3200  }
0xbd: {  	[sflag:s7] =	ssyncset.done $0x0  }
0xbe: {  	[sflag:s7] =	ssyncadd.s32 $0xFFFFCE00  }
0xbf: {  	[hbm4b:s14+s2] =	stream.linear.scatter [tilespmem:s25], [sflag:$0x6], $0x3200, $0x38;
	[tilespmem:$0x1F590] =	vst v63  }
0xc0: {  	_ =	swait.ge [sflag:s26], $0x3200  }
0xc1: {  	[sflag:s26] =	ssyncset.done $0x0  }
0xc2: {  	[sflag:s26] =	ssyncadd.s32 $0xFFFFCE00  }
0xc3: {  	[tilespmem:s25], [sflag:$0x7] =	stream.linear.gather [spmem:s15], $0x3200, $0x38;
	[tilespmem:$0x1F590] =	vst v63  }
0xc4: {  	_ =	swait.ge [sflag:s7], $0x3200  }
0xc5: {  	[sflag:s7] =	ssyncset.done $0x0  }
0xc6: {  	[sflag:s7] =	ssyncadd.s32 $0xFFFFCE00  }
0xc7: {  	[hbm4b:s16+s2] =	stream.linear.scatter [tilespmem:s25], [sflag:$0x6], $0x3200, $0x38;
	[tilespmem:$0x1F590] =	vst v63  }
0xc8: {  	_ =	swait.ge [sflag:s26], $0x3200  }
0xc9: {  	[sflag:s26] =	ssyncset.done $0x0  }
0xca: {  	[sflag:s26] =	ssyncadd.s32 $0xFFFFCE00  }
0xcb: {  	[tilespmem:s25], [sflag:$0x7] =	stream.linear.gather [spmem:s17], $0x3200, $0x38;
	[tilespmem:$0x1F590] =	vst v63  }
0xcc: {  	_ =	swait.ge [sflag:s7], $0x3200  }
0xcd: {  	[sflag:s7] =	ssyncset.done $0x0  }
0xce: {  	[sflag:s7] =	ssyncadd.s32 $0xFFFFCE00  }
0xcf: {  	[hbm4b:s18+s2] =	stream.linear.scatter [tilespmem:s25], [sflag:$0x6], $0x3200, $0x38;
	[tilespmem:$0x1F590] =	vst v63  }
0xd0: {  	_ =	swait.ge [sflag:s26], $0x3200  }
0xd1: {  	[sflag:s26] =	ssyncset.done $0x0  }
0xd2: {  	s10 =	simm.s32 @!p0 $0x7;
	s9 =	simm.s32 @!p0 $0x10040;
	[sflag:s26] =	ssyncadd.s32 $0xFFFFCE00  }
0xd3: {  	[tilespmem:s9], [sflag:$0x7] =	stream.linear.gather @!p0 [spmem:s19], $0x3200, $0x38;
	[tilespmem:$0x1F590] =	vst v63  }
0xd4: {  	_ =	swait.ge @!p0 [sflag:s10], $0x3200  }
0xd5: {  	[sflag:s10] =	ssyncset.done @!p0 $0x0  }
0xd6: {  	[sflag:s10] =	ssyncadd.s32 @!p0 $0xFFFFCE00;
	s10 =	simm.s32 @!p0 $0x0  }
0xd7: {  	[hbm4b:s20+s10] =	stream.linear.scatter @!p0 [tilespmem:s9], [sflag:$0x6], $0x3200, $0x38;
	[tilespmem:$0x1F590] =	vst v63  }
0xd8: {  	s9 =	simm.s32 @!p0 $0x6  }
0xd9: {  	_ =	swait.ge @!p0 [sflag:s9], $0x3200  }
0xda: {  	s8 =	sadd.s32 $0x1, s8;
	s12 =	rddreg [dreg:$0x6]  }
0xdb: {  	p1 =	sne.s32 s8, s12  }
.Ltmp3:
0xdc: {  	_ = 	snop;
	(pc) =	sbr.rel @p1 .LBB2_1-.Ltmp3, $3  }
0xdd: {  	_ =	sdelay $0x1  }
0xde: {  	[sflag:s9] =	ssyncset.done @!p0 $0x0  }
0xdf: {  	[sflag:s9] =	ssyncadd.s32 @!p0 $0xFFFFCE00  }
0xe0: {  	_ =	sfence.sel $0x180000  }
0xe1: {  	[bflag:$0x0] =	sbarrier.arrive $0xFFFF  }
0xe2: {  	_ =	strace $0x90000047  }
0xe3: {  	s0 =	stileid.u32;
	[bflag:$0x2] =	sbarrier.arrive $0xFFFF  }
0xe4: {  	p0 =	sne.s32 s0, $0x0;
	s0 =	rddreg [dreg:$0x2]  }
0xe5: {  	s0 =	sadd.s32 @!p0 $0x100000, s0  }
0xe6: {  	[sflag:s0] =	ssyncadd.tile.s32 @!p0 $0x1;
	_ =	shalt  }
.Lfunc_end2:
_tile_overlayer_lowered:
.L_overlay_start_2:
0xe7: {  	(tag) =	ssettag $0x2  }
0xe8: {  	s0 =	rddreg [dreg:$0x0];
	s2 =	stileid.u32  }
0xe9: {  	s1 =	rddreg [dreg:$0x1];
	p0 =	sne.s32 s2, $0x0  }
0xea: {  	s3 =	rddreg [dreg:$0x2];
	[bflag:$0x3] =	sbarrier.arrive $0xFFFF;
	s2 =	simm.s32 @!p0 $0x1C06  }
0xeb: {  	[timem:s3], [sflag:s2] =	dma.local @!p0 [hbm:s0], s1  }
0xec: {  	s0 =	simm.s32 @!p0 $0x6  }
0xed: {  	_ =	swait.ge @!p0 [sflag:s0], s1  }
0xee: {  	s1 =	ssub.s32 @!p0 $0x0, s1;
	[sflag:s0] =	ssyncset.done @!p0 $0x0  }
0xef: {  	[sflag:s0] =	ssyncadd.s32 @!p0 s1  }
0xf0: {  	[bflag:$0x3] =	sbarrier.arrive $0xFFFF  }
0xf1: {  	_ =	shalt  }

</sc_bundles>
